<compile_context>
chip_gen: v7x
topology: tpu7x:2x2x1
jax: 0.10.2.dev20260603
libtpu: 0.0.44.dev20260713+nightly
codegen_flags: <defaults>
</compile_context>

<pallas_src>
import jax
import jax.numpy as jnp
from jax import lax
from jax.experimental import pallas as pl
from jax.experimental.pallas import tpu as pltpu
from jax.experimental.pallas import tpu_sc as plsc

B = 16384
D = 32
DC = 2 * D
NC = 2
NS = 16
NW = NC * NS
BPW = B // NW
CHUNK = 128
NCHUNK = BPW // CHUNK
L = 16

BLK = 8192
NB = B // BLK


def _sc_gather_body(uid_hbm, mid_hbm, t_hbm, o_hbm,
                    uid_v, mid_v, urows, mrows, usem, msem, wsem):
  wid = lax.axis_index("s") * NC + lax.axis_index("c")
  base = wid * BPW
  cu = pltpu.async_copy(uid_hbm.at[pl.ds(wid * NCHUNK, NCHUNK)], uid_v, usem)
  cm = pltpu.async_copy(mid_hbm.at[pl.ds(wid * NCHUNK, NCHUNK)], mid_v, msem)
  ucopies, mcopies = [], []
  cu.wait()
  for j in range(NCHUNK):
    for k in range(CHUNK // L):
      sl = pl.ds(k * L, L)
      u = uid_v[j, sl]
      uid_v[j, sl] = u + u
    ucopies.append(pltpu.async_copy(
        t_hbm.at[uid_v.at[j]], urows.at[pl.ds(j * CHUNK, CHUNK)], usem))
  cm.wait()
  for j in range(NCHUNK):
    for k in range(CHUNK // L):
      sl = pl.ds(k * L, L)
      m = mid_v[j, sl]
      mid_v[j, sl] = m + m + 1
    mcopies.append(pltpu.async_copy(
        t_hbm.at[mid_v.at[j]], mrows.at[pl.ds(j * CHUNK, CHUNK)], msem))
  for c in ucopies:
    c.wait()
  wu = pltpu.async_copy(urows, o_hbm.at[pl.ds(base, BPW), pl.ds(0, DC)], wsem)
  for c in mcopies:
    c.wait()
  wm = pltpu.async_copy(mrows, o_hbm.at[pl.ds(base, BPW), pl.ds(DC, DC)], wsem)
  wu.wait()
  wm.wait()


def _make_sc_gather():
  mesh = plsc.VectorSubcoreMesh(core_axis_name="c", subcore_axis_name="s",
                                num_cores=NC, num_subcores=NS)
  return pl.kernel(
      _sc_gather_body,
      out_type=jax.ShapeDtypeStruct((B, 2 * DC), jnp.float32),
      mesh=mesh,
      scratch_types=[
          pltpu.VMEM((NCHUNK, CHUNK), jnp.int32),
          pltpu.VMEM((NCHUNK, CHUNK), jnp.int32),
          pltpu.VMEM((BPW, DC), jnp.float32),
          pltpu.VMEM((BPW, DC), jnp.float32),
          pltpu.SemaphoreType.DMA,
          pltpu.SemaphoreType.DMA,
          pltpu.SemaphoreType.DMA,
      ],
      compiler_params=pltpu.CompilerParams(use_tc_tiling_on_sc=False),
  )


def _mlp_head(x, w0_ref, b0_ref, w1_ref, b1_ref, w2_ref, b2_ref,
              wn_ref, bn_ref):
  gmf = x[:, :D] * x[:, DC:DC + D]
  h = jnp.dot(x, w0_ref[...], preferred_element_type=jnp.float32)
  h = jnp.maximum(h + b0_ref[...], 0.0)
  h = jnp.maximum(
      jnp.dot(h, w1_ref[...], preferred_element_type=jnp.float32) + b1_ref[...],
      0.0)
  h = jnp.maximum(
      jnp.dot(h, w2_ref[...], preferred_element_type=jnp.float32) + b2_ref[...],
      0.0)
  wn = wn_ref[...]
  logit = jnp.sum(gmf * wn[:, :D], axis=1) + jnp.sum(h * wn[:, D:], axis=1)
  return (logit + bn_ref[0]).reshape(BLK // 128, 128)


def _tc_body(x_ref, w0_ref, b0_ref, w1_ref, b1_ref,
             w2_ref, b2_ref, wn_ref, bn_ref, o_ref):
  args = (w0_ref, b0_ref, w1_ref, b1_ref, w2_ref, b2_ref, wn_ref, bn_ref)
  o_ref[...] = _mlp_head(x_ref[...], *args)


def _full(shape):
  return pl.BlockSpec(shape, lambda i: tuple(0 for _ in shape))


def _make_tc_dense():
  return pl.pallas_call(
      _tc_body,
      grid=(NB,),
      in_specs=[
          pl.BlockSpec((BLK, 2 * DC), lambda i: (i, 0)),
          _full((2 * DC, 128)),
          _full((1, 128)),
          _full((128, 64)),
          _full((1, 64)),
          _full((64, D)),
          _full((1, D)),
          _full((1, DC)),
          pl.BlockSpec(memory_space=pltpu.SMEM),
      ],
      out_specs=pl.BlockSpec((BLK // 128, 128), lambda i: (i, 0)),
      out_shape=jax.ShapeDtypeStruct((B // 128, 128), jnp.float32),
      compiler_params=pltpu.CompilerParams(
          dimension_semantics=("arbitrary",)),
  )


@jax.jit
def kernel(user_id, movie_title, user_gmf, movie_gmf, user_mlp, movie_mlp,
           W0, b0, W1, b1, W2, b2, Wn, bn):
  table = jnp.concatenate(
      [user_gmf, user_mlp, movie_gmf, movie_mlp], axis=1
  ).reshape(2 * user_gmf.shape[0], DC)
  uid = user_id.astype(jnp.int32).reshape(NW * NCHUNK, CHUNK)
  mid = movie_title.astype(jnp.int32).reshape(NW * NCHUNK, CHUNK)
  rows = _make_sc_gather()(uid, mid, table)
  x = rows.reshape(-1).reshape(B, 2 * DC)
  z = jnp.zeros((D, 128), jnp.float32)
  w0full = jnp.concatenate([z, W0[:D], z, W0[D:]], axis=0)
  out = _make_tc_dense()(
      x, w0full, b0.reshape(1, 128), W1,
      b1.reshape(1, 64), W2, b2.reshape(1, D), Wn.reshape(1, DC), bn)
  return out.reshape(B)

# --- scband reference (transcript-rebuilt; emitter-appended) ---
"""Pipeline reference for scband-ncf-214748364841 (READ-ONLY COPY).

The authoritative reference and input builder live on the scoring server;
editing this copy changes nothing except your own understanding.
"""

import jax, jax.numpy as jnp
import numpy as np

B = 16384
V = 1001  # len(unique_ids) + 1
D = 32

def setup_inputs(seed: int = 0) -> dict:
    key = jax.random.key(seed)
    ks = jax.random.split(key, 10)
    inp = {}
    inp['user_id'] = jax.random.randint(ks[0], (B,), 0, 1000)
    inp['movie_title'] = jax.random.randint(ks[1], (B,), 0, 1000)
    inp['user_gmf'] = jax.random.normal(ks[2], (V, D), jnp.float32) * 0.05
    inp['movie_gmf'] = jax.random.normal(ks[3], (V, D), jnp.float32) * 0.05
    inp['user_mlp'] = jax.random.normal(ks[4], (V, D), jnp.float32) * 0.05
    inp['movie_mlp'] = jax.random.normal(ks[5], (V, D), jnp.float32) * 0.05
    inp['W0'] = jax.random.normal(ks[6], (2 * D, 128), jnp.float32) * (1.0 / np.sqrt(2 * D))
    inp['b0'] = jnp.zeros((128,), jnp.float32)
    inp['W1'] = jax.random.normal(ks[7], (128, 64), jnp.float32) * (1.0 / np.sqrt(128.0))
    inp['b1'] = jnp.zeros((64,), jnp.float32)
    inp['W2'] = jax.random.normal(ks[8], (64, 32), jnp.float32) * (1.0 / np.sqrt(64.0))
    inp['b2'] = jnp.zeros((32,), jnp.float32)
    inp['Wn'] = jax.random.normal(ks[9], (32 + D, 1), jnp.float32) * (1.0 / np.sqrt(32.0 + D))
    inp['bn'] = jnp.zeros((1,), jnp.float32)
    return inp

def reference(user_id, movie_title, user_gmf, movie_gmf, user_mlp, movie_mlp, W0, b0, W1, b1, W2, b2, Wn, bn):
    # GMF branch: embedding gathers + elementwise product
    ue_g = jnp.take(user_gmf, user_id, axis=0)
    me_g = jnp.take(movie_gmf, movie_title, axis=0)
    hidden_gmf = ue_g * me_g
    # MLP branch: embedding gathers + concat + 3-layer ReLU MLP
    ue_m = jnp.take(user_mlp, user_id, axis=0)
    me_m = jnp.take(movie_mlp, movie_title, axis=0)
    h = jnp.concatenate([ue_m, me_m], axis=-1)
    h = jax.nn.relu(h @ W0 + b0)
    h = jax.nn.relu(h @ W1 + b1)
    h = jax.nn.relu(h @ W2 + b2)
    # NeuMF head
    out = jnp.concatenate([hidden_gmf, h], axis=-1) @ Wn + bn
    return out.squeeze(-1)

if __name__ == "__main__":
    import jax
    _d = setup_inputs()
    print(jax.jit(kernel)(*tuple(_d.values())))

</pallas_src>

<mosaic_0001>
#map = affine_map<(d0, d1) -> (0, 0)>
module attributes {stable_mosaic.version = 14 : i64} {
  func.func @_sc_gather_body(%arg0: i32, %arg1: i32, %arg2: memref<128x128xi32, #tpu.memory_space<hbm>>, %arg3: memref<128x128xi32, #tpu.memory_space<hbm>>, %arg4: memref<2002x64xf32, #tpu.memory_space<hbm>>, %arg5: memref<16384x128xf32, #tpu.memory_space<hbm>>, %arg6: memref<4x128xi32, #tpu.memory_space<vmem>>, %arg7: memref<4x128xi32, #tpu.memory_space<vmem>>, %arg8: memref<512x64xf32, #tpu.memory_space<vmem>>, %arg9: memref<512x64xf32, #tpu.memory_space<vmem>>, %arg10: memref<!tpu.dma_semaphore, #tpu.memory_space<semaphore_mem>>, %arg11: memref<!tpu.dma_semaphore, #tpu.memory_space<semaphore_mem>>, %arg12: memref<!tpu.dma_semaphore, #tpu.memory_space<semaphore_mem>>) attributes {dimension_semantics = [#tpu.dimension_semantics<core_parallel>, #tpu.dimension_semantics<subcore_parallel>], iteration_bounds = array<i64: 2, 16>, scalar_prefetch = 0 : i64, scratch_operands = 7 : i64, tpu.core_type = #tpu.core_type<sc_vector_subcore>, window_params = [{transform_indices = #map}, {transform_indices = #map}, {transform_indices = #map}, {transform_indices = #map}]} {
    %mul3A = arith.constant 2 : i32
    %mul3A_0 = arith.muli %arg1, %mul3A : i32
    %add3A = arith.addi %mul3A_0, %arg0 : i32
    %mul3A_1 = arith.constant 512 : i32
    %mul3A_2 = arith.muli %add3A, %mul3A_1 : i32
    %mul3A_3 = arith.constant 4 : i32
    %mul3A_4 = arith.muli %add3A, %mul3A_3 : i32
    %dma_start3A = arith.constant 0 : i32
    %dma_start3A_5 = tpu.memref_slice %arg2[%mul3A_4, %dma_start3A] : memref<128x128xi32, #tpu.memory_space<hbm>> -> memref<4x128xi32, #tpu.memory_space<hbm>>
    %dma_start3A_6 = arith.constant 0 : i32
    %dma_start3A_7 = tpu.memref_slice %arg2[%mul3A_4, %dma_start3A_6] : memref<128x128xi32, #tpu.memory_space<hbm>> -> memref<4x128xi32, #tpu.memory_space<hbm>>
    tpu.enqueue_dma source(%dma_start3A_7 : memref<4x128xi32, #tpu.memory_space<hbm>>) target(%arg6 : memref<4x128xi32, #tpu.memory_space<vmem>>) target_semaphore(%arg10 : memref<!tpu.dma_semaphore, #tpu.memory_space<semaphore_mem>>)
    %mul3A_8 = arith.constant 4 : i32
    %mul3A_9 = arith.muli %add3A, %mul3A_8 : i32
    %dma_start3A_10 = arith.constant 0 : i32
    %dma_start3A_11 = tpu.memref_slice %arg3[%mul3A_9, %dma_start3A_10] : memref<128x128xi32, #tpu.memory_space<hbm>> -> memref<4x128xi32, #tpu.memory_space<hbm>>
    %dma_start3A_12 = arith.constant 0 : i32
    %dma_start3A_13 = tpu.memref_slice %arg3[%mul3A_9, %dma_start3A_12] : memref<128x128xi32, #tpu.memory_space<hbm>> -> memref<4x128xi32, #tpu.memory_space<hbm>>
    tpu.enqueue_dma source(%dma_start3A_13 : memref<4x128xi32, #tpu.memory_space<hbm>>) target(%arg7 : memref<4x128xi32, #tpu.memory_space<vmem>>) target_semaphore(%arg11 : memref<!tpu.dma_semaphore, #tpu.memory_space<semaphore_mem>>)
    %dma_wait3A = arith.constant 0 : i32
    %dma_wait3A_14 = tpu.memref_slice %arg2[%mul3A_4, %dma_wait3A] : memref<128x128xi32, #tpu.memory_space<hbm>> -> memref<4x128xi32, #tpu.memory_space<hbm>>
    %dma_wait3A_15 = arith.constant 0 : i32
    %dma_wait3A_16 = tpu.memref_slice %arg2[%mul3A_4, %dma_wait3A_15] : memref<128x128xi32, #tpu.memory_space<hbm>> -> memref<4x128xi32, #tpu.memory_space<hbm>>
    tpu.wait_dma2 semaphore(%arg10 : memref<!tpu.dma_semaphore, #tpu.memory_space<semaphore_mem>>) src(%dma_wait3A_16 : memref<4x128xi32, #tpu.memory_space<hbm>>) dst(%arg6 : memref<4x128xi32, #tpu.memory_space<vmem>>)
    %get3A = arith.constant 0 : i32
    %get3A_17 = arith.index_cast %get3A : i32 to index
    %get3A_18 = arith.constant 0 : index
    %get3A_19 = tpu.vector_load %arg6[%get3A_17, %get3A_18] {strides = array<i32>} : memref<4x128xi32, #tpu.memory_space<vmem>>, vector<1x16xi32>,
    %get3A_20 = vector.shape_cast %get3A_19 : vector<1x16xi32> to vector<16xi32>
    %add3A_21 = arith.addi %get3A_20, %get3A_20 : vector<16xi32>
    %swap3A = arith.constant 0 : i32
    %swap3A_22 = arith.index_cast %swap3A : i32 to index
    %swap3A_23 = arith.constant 0 : index
    %swap3A_24 = tpu.vector_load %arg6[%swap3A_22, %swap3A_23] {strides = array<i32>} : memref<4x128xi32, #tpu.memory_space<vmem>>, vector<1x16xi32>,
    %swap3A_25 = vector.shape_cast %swap3A_24 : vector<1x16xi32> to vector<16xi32>
    %swap3A_26 = vector.shape_cast %add3A_21 : vector<16xi32> to vector<1x16xi32>
    tpu.vector_store %arg6[%swap3A_22, %swap3A_23], %swap3A_26 {strides = array<i32>} : memref<4x128xi32, #tpu.memory_space<vmem>>, vector<1x16xi32>,
    %get3A_27 = arith.constant 0 : i32
    %get3A_28 = arith.index_cast %get3A_27 : i32 to index
    %get3A_29 = arith.constant 16 : index
    %get3A_30 = tpu.vector_load %arg6[%get3A_28, %get3A_29] {strides = array<i32>} : memref<4x128xi32, #tpu.memory_space<vmem>>, vector<1x16xi32>,
    %get3A_31 = vector.shape_cast %get3A_30 : vector<1x16xi32> to vector<16xi32>
    %add3A_32 = arith.addi %get3A_31, %get3A_31 : vector<16xi32>
    %swap3A_33 = arith.constant 0 : i32
    %swap3A_34 = arith.index_cast %swap3A_33 : i32 to index
    %swap3A_35 = arith.constant 16 : index
    %swap3A_36 = tpu.vector_load %arg6[%swap3A_34, %swap3A_35] {strides = array<i32>} : memref<4x128xi32, #tpu.memory_space<vmem>>, vector<1x16xi32>,
    %swap3A_37 = vector.shape_cast %swap3A_36 : vector<1x16xi32> to vector<16xi32>
    %swap3A_38 = vector.shape_cast %add3A_32 : vector<16xi32> to vector<1x16xi32>
    tpu.vector_store %arg6[%swap3A_34, %swap3A_35], %swap3A_38 {strides = array<i32>} : memref<4x128xi32, #tpu.memory_space<vmem>>, vector<1x16xi32>,
    %get3A_39 = arith.constant 0 : i32
    %get3A_40 = arith.index_cast %get3A_39 : i32 to index
    %get3A_41 = arith.constant 32 : index
    %get3A_42 = tpu.vector_load %arg6[%get3A_40, %get3A_41] {strides = array<i32>} : memref<4x128xi32, #tpu.memory_space<vmem>>, vector<1x16xi32>,
    %get3A_43 = vector.shape_cast %get3A_42 : vector<1x16xi32> to vector<16xi32>
    %add3A_44 = arith.addi %get3A_43, %get3A_43 : vector<16xi32>
    %swap3A_45 = arith.constant 0 : i32
    %swap3A_46 = arith.index_cast %swap3A_45 : i32 to index
    %swap3A_47 = arith.constant 32 : index
    %swap3A_48 = tpu.vector_load %arg6[%swap3A_46, %swap3A_47] {strides = array<i32>} : memref<4x128xi32, #tpu.memory_space<vmem>>, vector<1x16xi32>,
    %swap3A_49 = vector.shape_cast %swap3A_48 : vector<1x16xi32> to vector<16xi32>
    %swap3A_50 = vector.shape_cast %add3A_44 : vector<16xi32> to vector<1x16xi32>
    tpu.vector_store %arg6[%swap3A_46, %swap3A_47], %swap3A_50 {strides = array<i32>} : memref<4x128xi32, #tpu.memory_space<vmem>>, vector<1x16xi32>,
    %get3A_51 = arith.constant 0 : i32
    %get3A_52 = arith.index_cast %get3A_51 : i32 to index
    %get3A_53 = arith.constant 48 : index
    %get3A_54 = tpu.vector_load %arg6[%get3A_52, %get3A_53] {strides = array<i32>} : memref<4x128xi32, #tpu.memory_space<vmem>>, vector<1x16xi32>,
    %get3A_55 = vector.shape_cast %get3A_54 : vector<1x16xi32> to vector<16xi32>
    %add3A_56 = arith.addi %get3A_55, %get3A_55 : vector<16xi32>
    %swap3A_57 = arith.constant 0 : i32
    %swap3A_58 = arith.index_cast %swap3A_57 : i32 to index
    %swap3A_59 = arith.constant 48 : index
    %swap3A_60 = tpu.vector_load %arg6[%swap3A_58, %swap3A_59] {strides = array<i32>} : memref<4x128xi32, #tpu.memory_space<vmem>>, vector<1x16xi32>,
    %swap3A_61 = vector.shape_cast %swap3A_60 : vector<1x16xi32> to vector<16xi32>
    %swap3A_62 = vector.shape_cast %add3A_56 : vector<16xi32> to vector<1x16xi32>
    tpu.vector_store %arg6[%swap3A_58, %swap3A_59], %swap3A_62 {strides = array<i32>} : memref<4x128xi32, #tpu.memory_space<vmem>>, vector<1x16xi32>,
    %get3A_63 = arith.constant 0 : i32
    %get3A_64 = arith.index_cast %get3A_63 : i32 to index
    %get3A_65 = arith.constant 64 : index
    %get3A_66 = tpu.vector_load %arg6[%get3A_64, %get3A_65] {strides = array<i32>} : memref<4x128xi32, #tpu.memory_space<vmem>>, vector<1x16xi32>,
    %get3A_67 = vector.shape_cast %get3A_66 : vector<1x16xi32> to vector<16xi32>
    %add3A_68 = arith.addi %get3A_67, %get3A_67 : vector<16xi32>
    %swap3A_69 = arith.constant 0 : i32
    %swap3A_70 = arith.index_cast %swap3A_69 : i32 to index
    %swap3A_71 = arith.constant 64 : index
    %swap3A_72 = tpu.vector_load %arg6[%swap3A_70, %swap3A_71] {strides = array<i32>} : memref<4x128xi32, #tpu.memory_space<vmem>>, vector<1x16xi32>,
    %swap3A_73 = vector.shape_cast %swap3A_72 : vector<1x16xi32> to vector<16xi32>
    %swap3A_74 = vector.shape_cast %add3A_68 : vector<16xi32> to vector<1x16xi32>
    tpu.vector_store %arg6[%swap3A_70, %swap3A_71], %swap3A_74 {strides = array<i32>} : memref<4x128xi32, #tpu.memory_space<vmem>>, vector<1x16xi32>,
    %get3A_75 = arith.constant 0 : i32
    %get3A_76 = arith.index_cast %get3A_75 : i32 to index
    %get3A_77 = arith.constant 80 : index
    %get3A_78 = tpu.vector_load %arg6[%get3A_76, %get3A_77] {strides = array<i32>} : memref<4x128xi32, #tpu.memory_space<vmem>>, vector<1x16xi32>,
    %get3A_79 = vector.shape_cast %get3A_78 : vector<1x16xi32> to vector<16xi32>
    %add3A_80 = arith.addi %get3A_79, %get3A_79 : vector<16xi32>
    %swap3A_81 = arith.constant 0 : i32
    %swap3A_82 = arith.index_cast %swap3A_81 : i32 to index
    %swap3A_83 = arith.constant 80 : index
    %swap3A_84 = tpu.vector_load %arg6[%swap3A_82, %swap3A_83] {strides = array<i32>} : memref<4x128xi32, #tpu.memory_space<vmem>>, vector<1x16xi32>,
    %swap3A_85 = vector.shape_cast %swap3A_84 : vector<1x16xi32> to vector<16xi32>
    %swap3A_86 = vector.shape_cast %add3A_80 : vector<16xi32> to vector<1x16xi32>
    tpu.vector_store %arg6[%swap3A_82, %swap3A_83], %swap3A_86 {strides = array<i32>} : memref<4x128xi32, #tpu.memory_space<vmem>>, vector<1x16xi32>,
    %get3A_87 = arith.constant 0 : i32
    %get3A_88 = arith.index_cast %get3A_87 : i32 to index
    %get3A_89 = arith.constant 96 : index
    %get3A_90 = tpu.vector_load %arg6[%get3A_88, %get3A_89] {strides = array<i32>} : memref<4x128xi32, #tpu.memory_space<vmem>>, vector<1x16xi32>,
    %get3A_91 = vector.shape_cast %get3A_90 : vector<1x16xi32> to vector<16xi32>
    %add3A_92 = arith.addi %get3A_91, %get3A_91 : vector<16xi32>
    %swap3A_93 = arith.constant 0 : i32
    %swap3A_94 = arith.index_cast %swap3A_93 : i32 to index
    %swap3A_95 = arith.constant 96 : index
    %swap3A_96 = tpu.vector_load %arg6[%swap3A_94, %swap3A_95] {strides = array<i32>} : memref<4x128xi32, #tpu.memory_space<vmem>>, vector<1x16xi32>,
    %swap3A_97 = vector.shape_cast %swap3A_96 : vector<1x16xi32> to vector<16xi32>
    %swap3A_98 = vector.shape_cast %add3A_92 : vector<16xi32> to vector<1x16xi32>
    tpu.vector_store %arg6[%swap3A_94, %swap3A_95], %swap3A_98 {strides = array<i32>} : memref<4x128xi32, #tpu.memory_space<vmem>>, vector<1x16xi32>,
    %get3A_99 = arith.constant 0 : i32
    %get3A_100 = arith.index_cast %get3A_99 : i32 to index
    %get3A_101 = arith.constant 112 : index
    %get3A_102 = tpu.vector_load %arg6[%get3A_100, %get3A_101] {strides = array<i32>} : memref<4x128xi32, #tpu.memory_space<vmem>>, vector<1x16xi32>,
    %get3A_103 = vector.shape_cast %get3A_102 : vector<1x16xi32> to vector<16xi32>
    %add3A_104 = arith.addi %get3A_103, %get3A_103 : vector<16xi32>
    %swap3A_105 = arith.constant 0 : i32
    %swap3A_106 = arith.index_cast %swap3A_105 : i32 to index
    %swap3A_107 = arith.constant 112 : index
    %swap3A_108 = tpu.vector_load %arg6[%swap3A_106, %swap3A_107] {strides = array<i32>} : memref<4x128xi32, #tpu.memory_space<vmem>>, vector<1x16xi32>,
    %swap3A_109 = vector.shape_cast %swap3A_108 : vector<1x16xi32> to vector<16xi32>
    %swap3A_110 = vector.shape_cast %add3A_104 : vector<16xi32> to vector<1x16xi32>
    tpu.vector_store %arg6[%swap3A_106, %swap3A_107], %swap3A_110 {strides = array<i32>} : memref<4x128xi32, #tpu.memory_space<vmem>>, vector<1x16xi32>,
    %dma_start3A_111 = arith.constant 0 : i32
    %dma_start3A_112 = arith.constant 0 : i32
    %dma_start3A_113 = arith.constant 0 : i32
    %dma_start3A_114 = tpu.memref_slice %arg8[%dma_start3A_112, %dma_start3A_113] : memref<512x64xf32, #tpu.memory_space<vmem>> -> memref<128x64xf32, #tpu.memory_space<vmem>>
    %dma_start3A_115 = arith.constant 0 : i32
    %dma_start3A_116 = tpu.memref_slice %arg6[%dma_start3A_111, %dma_start3A_115] : memref<4x128xi32, #tpu.memory_space<vmem>> -> memref<1x128xi32, #tpu.memory_space<vmem>>
    %dma_start3A_117 = tpu.memref_squeeze %dma_start3A_116 : memref<1x128xi32, #tpu.memory_space<vmem>> -> memref<128xi32, #tpu.memory_space<vmem>>
    %dma_start3A_118 = arith.constant 0 : i32
    %dma_start3A_119 = arith.constant 0 : i32
    %dma_start3A_120 = tpu.memref_slice %arg4[%dma_start3A_118, %dma_start3A_119] : memref<2002x64xf32, #tpu.memory_space<hbm>> -> memref<2002x64xf32, #tpu.memory_space<hbm>>
    tpu.enqueue_indirect_dma source(%dma_start3A_120 : memref<2002x64xf32, #tpu.memory_space<hbm>>) target(%dma_start3A_114 : memref<128x64xf32, #tpu.memory_space<vmem>>) offsets(%dma_start3A_117 : memref<128xi32, #tpu.memory_space<vmem>>) semaphore(%arg10 : memref<!tpu.dma_semaphore, #tpu.memory_space<semaphore_mem>>)
    %get3A_121 = arith.constant 1 : i32
    %get3A_122 = arith.index_cast %get3A_121 : i32 to index
    %get3A_123 = arith.constant 0 : index
    %get3A_124 = tpu.vector_load %arg6[%get3A_122, %get3A_123] {strides = array<i32>} : memref<4x128xi32, #tpu.memory_space<vmem>>, vector<1x16xi32>,
    %get3A_125 = vector.shape_cast %get3A_124 : vector<1x16xi32> to vector<16xi32>
    %add3A_126 = arith.addi %get3A_125, %get3A_125 : vector<16xi32>
    %swap3A_127 = arith.constant 1 : i32
    %swap3A_128 = arith.index_cast %swap3A_127 : i32 to index
    %swap3A_129 = arith.constant 0 : index
    %swap3A_130 = tpu.vector_load %arg6[%swap3A_128, %swap3A_129] {strides = array<i32>} : memref<4x128xi32, #tpu.memory_space<vmem>>, vector<1x16xi32>,
    %swap3A_131 = vector.shape_cast %swap3A_130 : vector<1x16xi32> to vector<16xi32>
    %swap3A_132 = vector.shape_cast %add3A_126 : vector<16xi32> to vector<1x16xi32>
    tpu.vector_store %arg6[%swap3A_128, %swap3A_129], %swap3A_132 {strides = array<i32>} : memref<4x128xi32, #tpu.memory_space<vmem>>, vector<1x16xi32>,
    %get3A_133 = arith.constant 1 : i32
    %get3A_134 = arith.index_cast %get3A_133 : i32 to index
    %get3A_135 = arith.constant 16 : index
    %get3A_136 = tpu.vector_load %arg6[%get3A_134, %get3A_135] {strides = array<i32>} : memref<4x128xi32, #tpu.memory_space<vmem>>, vector<1x16xi32>,
    %get3A_137 = vector.shape_cast %get3A_136 : vector<1x16xi32> to vector<16xi32>
    %add3A_138 = arith.addi %get3A_137, %get3A_137 : vector<16xi32>
    %swap3A_139 = arith.constant 1 : i32
    %swap3A_140 = arith.index_cast %swap3A_139 : i32 to index
    %swap3A_141 = arith.constant 16 : index
    %swap3A_142 = tpu.vector_load %arg6[%swap3A_140, %swap3A_141] {strides = array<i32>} : memref<4x128xi32, #tpu.memory_space<vmem>>, vector<1x16xi32>,
    %swap3A_143 = vector.shape_cast %swap3A_142 : vector<1x16xi32> to vector<16xi32>
    %swap3A_144 = vector.shape_cast %add3A_138 : vector<16xi32> to vector<1x16xi32>
    tpu.vector_store %arg6[%swap3A_140, %swap3A_141], %swap3A_144 {strides = array<i32>} : memref<4x128xi32, #tpu.memory_space<vmem>>, vector<1x16xi32>,
    %get3A_145 = arith.constant 1 : i32
    %get3A_146 = arith.index_cast %get3A_145 : i32 to index
    %get3A_147 = arith.constant 32 : index
    %get3A_148 = tpu.vector_load %arg6[%get3A_146, %get3A_147] {strides = array<i32>} : memref<4x128xi32, #tpu.memory_space<vmem>>, vector<1x16xi32>,
    %get3A_149 = vector.shape_cast %get3A_148 : vector<1x16xi32> to vector<16xi32>
    %add3A_150 = arith.addi %get3A_149, %get3A_149 : vector<16xi32>
    %swap3A_151 = arith.constant 1 : i32
    %swap3A_152 = arith.index_cast %swap3A_151 : i32 to index
    %swap3A_153 = arith.constant 32 : index
    %swap3A_154 = tpu.vector_load %arg6[%swap3A_152, %swap3A_153] {strides = array<i32>} : memref<4x128xi32, #tpu.memory_space<vmem>>, vector<1x16xi32>,
    %swap3A_155 = vector.shape_cast %swap3A_154 : vector<1x16xi32> to vector<16xi32>
    %swap3A_156 = vector.shape_cast %add3A_150 : vector<16xi32> to vector<1x16xi32>
    tpu.vector_store %arg6[%swap3A_152, %swap3A_153], %swap3A_156 {strides = array<i32>} : memref<4x128xi32, #tpu.memory_space<vmem>>, vector<1x16xi32>,
    %get3A_157 = arith.constant 1 : i32
    %get3A_158 = arith.index_cast %get3A_157 : i32 to index
    %get3A_159 = arith.constant 48 : index
    %get3A_160 = tpu.vector_load %arg6[%get3A_158, %get3A_159] {strides = array<i32>} : memref<4x128xi32, #tpu.memory_space<vmem>>, vector<1x16xi32>,
    %get3A_161 = vector.shape_cast %get3A_160 : vector<1x16xi32> to vector<16xi32>
    %add3A_162 = arith.addi %get3A_161, %get3A_161 : vector<16xi32>
    %swap3A_163 = arith.constant 1 : i32
    %swap3A_164 = arith.index_cast %swap3A_163 : i32 to index
    %swap3A_165 = arith.constant 48 : index
    %swap3A_166 = tpu.vector_load %arg6[%swap3A_164, %swap3A_165] {strides = array<i32>} : memref<4x128xi32, #tpu.memory_space<vmem>>, vector<1x16xi32>,
    %swap3A_167 = vector.shape_cast %swap3A_166 : vector<1x16xi32> to vector<16xi32>
    %swap3A_168 = vector.shape_cast %add3A_162 : vector<16xi32> to vector<1x16xi32>
    tpu.vector_store %arg6[%swap3A_164, %swap3A_165], %swap3A_168 {strides = array<i32>} : memref<4x128xi32, #tpu.memory_space<vmem>>, vector<1x16xi32>,
    %get3A_169 = arith.constant 1 : i32
    %get3A_170 = arith.index_cast %get3A_169 : i32 to index
    %get3A_171 = arith.constant 64 : index
    %get3A_172 = tpu.vector_load %arg6[%get3A_170, %get3A_171] {strides = array<i32>} : memref<4x128xi32, #tpu.memory_space<vmem>>, vector<1x16xi32>,
    %get3A_173 = vector.shape_cast %get3A_172 : vector<1x16xi32> to vector<16xi32>
    %add3A_174 = arith.addi %get3A_173, %get3A_173 : vector<16xi32>
    %swap3A_175 = arith.constant 1 : i32
    %swap3A_176 = arith.index_cast %swap3A_175 : i32 to index
    %swap3A_177 = arith.constant 64 : index
    %swap3A_178 = tpu.vector_load %arg6[%swap3A_176, %swap3A_177] {strides = array<i32>} : memref<4x128xi32, #tpu.memory_space<vmem>>, vector<1x16xi32>,
    %swap3A_179 = vector.shape_cast %swap3A_178 : vector<1x16xi32> to vector<16xi32>
    %swap3A_180 = vector.shape_cast %add3A_174 : vector<16xi32> to vector<1x16xi32>
    tpu.vector_store %arg6[%swap3A_176, %swap3A_177], %swap3A_180 {strides = array<i32>} : memref<4x128xi32, #tpu.memory_space<vmem>>, vector<1x16xi32>,
    %get3A_181 = arith.constant 1 : i32
    %get3A_182 = arith.index_cast %get3A_181 : i32 to index
    %get3A_183 = arith.constant 80 : index
    %get3A_184 = tpu.vector_load %arg6[%get3A_182, %get3A_183] {strides = array<i32>} : memref<4x128xi32, #tpu.memory_space<vmem>>, vector<1x16xi32>,
    %get3A_185 = vector.shape_cast %get3A_184 : vector<1x16xi32> to vector<16xi32>
    %add3A_186 = arith.addi %get3A_185, %get3A_185 : vector<16xi32>
    %swap3A_187 = arith.constant 1 : i32
    %swap3A_188 = arith.index_cast %swap3A_187 : i32 to index
    %swap3A_189 = arith.constant 80 : index
    %swap3A_190 = tpu.vector_load %arg6[%swap3A_188, %swap3A_189] {strides = array<i32>} : memref<4x128xi32, #tpu.memory_space<vmem>>, vector<1x16xi32>,
    %swap3A_191 = vector.shape_cast %swap3A_190 : vector<1x16xi32> to vector<16xi32>
    %swap3A_192 = vector.shape_cast %add3A_186 : vector<16xi32> to vector<1x16xi32>
    tpu.vector_store %arg6[%swap3A_188, %swap3A_189], %swap3A_192 {strides = array<i32>} : memref<4x128xi32, #tpu.memory_space<vmem>>, vector<1x16xi32>,
    %get3A_193 = arith.constant 1 : i32
    %get3A_194 = arith.index_cast %get3A_193 : i32 to index
    %get3A_195 = arith.constant 96 : index
    %get3A_196 = tpu.vector_load %arg6[%get3A_194, %get3A_195] {strides = array<i32>} : memref<4x128xi32, #tpu.memory_space<vmem>>, vector<1x16xi32>,
    %get3A_197 = vector.shape_cast %get3A_196 : vector<1x16xi32> to vector<16xi32>
    %add3A_198 = arith.addi %get3A_197, %get3A_197 : vector<16xi32>
    %swap3A_199 = arith.constant 1 : i32
    %swap3A_200 = arith.index_cast %swap3A_199 : i32 to index
    %swap3A_201 = arith.constant 96 : index
    %swap3A_202 = tpu.vector_load %arg6[%swap3A_200, %swap3A_201] {strides = array<i32>} : memref<4x128xi32, #tpu.memory_space<vmem>>, vector<1x16xi32>,
    %swap3A_203 = vector.shape_cast %swap3A_202 : vector<1x16xi32> to vector<16xi32>
    %swap3A_204 = vector.shape_cast %add3A_198 : vector<16xi32> to vector<1x16xi32>
    tpu.vector_store %arg6[%swap3A_200, %swap3A_201], %swap3A_204 {strides = array<i32>} : memref<4x128xi32, #tpu.memory_space<vmem>>, vector<1x16xi32>,
    %get3A_205 = arith.constant 1 : i32
    %get3A_206 = arith.index_cast %get3A_205 : i32 to index
    %get3A_207 = arith.constant 112 : index
    %get3A_208 = tpu.vector_load %arg6[%get3A_206, %get3A_207] {strides = array<i32>} : memref<4x128xi32, #tpu.memory_space<vmem>>, vector<1x16xi32>,
    %get3A_209 = vector.shape_cast %get3A_208 : vector<1x16xi32> to vector<16xi32>
    %add3A_210 = arith.addi %get3A_209, %get3A_209 : vector<16xi32>
    %swap3A_211 = arith.constant 1 : i32
    %swap3A_212 = arith.index_cast %swap3A_211 : i32 to index
    %swap3A_213 = arith.constant 112 : index
    %swap3A_214 = tpu.vector_load %arg6[%swap3A_212, %swap3A_213] {strides = array<i32>} : memref<4x128xi32, #tpu.memory_space<vmem>>, vector<1x16xi32>,
    %swap3A_215 = vector.shape_cast %swap3A_214 : vector<1x16xi32> to vector<16xi32>
    %swap3A_216 = vector.shape_cast %add3A_210 : vector<16xi32> to vector<1x16xi32>
    tpu.vector_store %arg6[%swap3A_212, %swap3A_213], %swap3A_216 {strides = array<i32>} : memref<4x128xi32, #tpu.memory_space<vmem>>, vector<1x16xi32>,
    %dma_start3A_217 = arith.constant 1 : i32
    %dma_start3A_218 = arith.constant 128 : i32
    %dma_start3A_219 = arith.constant 0 : i32
    %dma_start3A_220 = tpu.memref_slice %arg8[%dma_start3A_218, %dma_start3A_219] : memref<512x64xf32, #tpu.memory_space<vmem>> -> memref<128x64xf32, #tpu.memory_space<vmem>>
    %dma_start3A_221 = arith.constant 0 : i32
    %dma_start3A_222 = tpu.memref_slice %arg6[%dma_start3A_217, %dma_start3A_221] : memref<4x128xi32, #tpu.memory_space<vmem>> -> memref<1x128xi32, #tpu.memory_space<vmem>>
    %dma_start3A_223 = tpu.memref_squeeze %dma_start3A_222 : memref<1x128xi32, #tpu.memory_space<vmem>> -> memref<128xi32, #tpu.memory_space<vmem>>
    %dma_start3A_224 = arith.constant 0 : i32
    %dma_start3A_225 = arith.constant 0 : i32
    %dma_start3A_226 = tpu.memref_slice %arg4[%dma_start3A_224, %dma_start3A_225] : memref<2002x64xf32, #tpu.memory_space<hbm>> -> memref<2002x64xf32, #tpu.memory_space<hbm>>
    tpu.enqueue_indirect_dma source(%dma_start3A_226 : memref<2002x64xf32, #tpu.memory_space<hbm>>) target(%dma_start3A_220 : memref<128x64xf32, #tpu.memory_space<vmem>>) offsets(%dma_start3A_223 : memref<128xi32, #tpu.memory_space<vmem>>) semaphore(%arg10 : memref<!tpu.dma_semaphore, #tpu.memory_space<semaphore_mem>>)
    %get3A_227 = arith.constant 2 : i32
    %get3A_228 = arith.index_cast %get3A_227 : i32 to index
    %get3A_229 = arith.constant 0 : index
    %get3A_230 = tpu.vector_load %arg6[%get3A_228, %get3A_229] {strides = array<i32>} : memref<4x128xi32, #tpu.memory_space<vmem>>, vector<1x16xi32>,
    %get3A_231 = vector.shape_cast %get3A_230 : vector<1x16xi32> to vector<16xi32>
    %add3A_232 = arith.addi %get3A_231, %get3A_231 : vector<16xi32>
    %swap3A_233 = arith.constant 2 : i32
    %swap3A_234 = arith.index_cast %swap3A_233 : i32 to index
    %swap3A_235 = arith.constant 0 : index
    %swap3A_236 = tpu.vector_load %arg6[%swap3A_234, %swap3A_235] {strides = array<i32>} : memref<4x128xi32, #tpu.memory_space<vmem>>, vector<1x16xi32>,
    %swap3A_237 = vector.shape_cast %swap3A_236 : vector<1x16xi32> to vector<16xi32>
    %swap3A_238 = vector.shape_cast %add3A_232 : vector<16xi32> to vector<1x16xi32>
    tpu.vector_store %arg6[%swap3A_234, %swap3A_235], %swap3A_238 {strides = array<i32>} : memref<4x128xi32, #tpu.memory_space<vmem>>, vector<1x16xi32>,
    %get3A_239 = arith.constant 2 : i32
    %get3A_240 = arith.index_cast %get3A_239 : i32 to index
    %get3A_241 = arith.constant 16 : index
    %get3A_242 = tpu.vector_load %arg6[%get3A_240, %get3A_241] {strides = array<i32>} : memref<4x128xi32, #tpu.memory_space<vmem>>, vector<1x16xi32>,
    %get3A_243 = vector.shape_cast %get3A_242 : vector<1x16xi32> to vector<16xi32>
    %add3A_244 = arith.addi %get3A_243, %get3A_243 : vector<16xi32>
    %swap3A_245 = arith.constant 2 : i32
    %swap3A_246 = arith.index_cast %swap3A_245 : i32 to index
    %swap3A_247 = arith.constant 16 : index
    %swap3A_248 = tpu.vector_load %arg6[%swap3A_246, %swap3A_247] {strides = array<i32>} : memref<4x128xi32, #tpu.memory_space<vmem>>, vector<1x16xi32>,
    %swap3A_249 = vector.shape_cast %swap3A_248 : vector<1x16xi32> to vector<16xi32>
    %swap3A_250 = vector.shape_cast %add3A_244 : vector<16xi32> to vector<1x16xi32>
    tpu.vector_store %arg6[%swap3A_246, %swap3A_247], %swap3A_250 {strides = array<i32>} : memref<4x128xi32, #tpu.memory_space<vmem>>, vector<1x16xi32>,
    %get3A_251 = arith.constant 2 : i32
    %get3A_252 = arith.index_cast %get3A_251 : i32 to index
    %get3A_253 = arith.constant 32 : index
    %get3A_254 = tpu.vector_load %arg6[%get3A_252, %get3A_253] {strides = array<i32>} : memref<4x128xi32, #tpu.memory_space<vmem>>, vector<1x16xi32>,
    %get3A_255 = vector.shape_cast %get3A_254 : vector<1x16xi32> to vector<16xi32>
    %add3A_256 = arith.addi %get3A_255, %get3A_255 : vector<16xi32>
    %swap3A_257 = arith.constant 2 : i32
    %swap3A_258 = arith.index_cast %swap3A_257 : i32 to index
    %swap3A_259 = arith.constant 32 : index
    %swap3A_260 = tpu.vector_load %arg6[%swap3A_258, %swap3A_259] {strides = array<i32>} : memref<4x128xi32, #tpu.memory_space<vmem>>, vector<1x16xi32>,
    %swap3A_261 = vector.shape_cast %swap3A_260 : vector<1x16xi32> to vector<16xi32>
    %swap3A_262 = vector.shape_cast %add3A_256 : vector<16xi32> to vector<1x16xi32>
    tpu.vector_store %arg6[%swap3A_258, %swap3A_259], %swap3A_262 {strides = array<i32>} : memref<4x128xi32, #tpu.memory_space<vmem>>, vector<1x16xi32>,
    %get3A_263 = arith.constant 2 : i32
    %get3A_264 = arith.index_cast %get3A_263 : i32 to index
    %get3A_265 = arith.constant 48 : index
    %get3A_266 = tpu.vector_load %arg6[%get3A_264, %get3A_265] {strides = array<i32>} : memref<4x128xi32, #tpu.memory_space<vmem>>, vector<1x16xi32>,
    %get3A_267 = vector.shape_cast %get3A_266 : vector<1x16xi32> to vector<16xi32>
    %add3A_268 = arith.addi %get3A_267, %get3A_267 : vector<16xi32>
    %swap3A_269 = arith.constant 2 : i32
    %swap3A_270 = arith.index_cast %swap3A_269 : i32 to index
    %swap3A_271 = arith.constant 48 : index
    %swap3A_272 = tpu.vector_load %arg6[%swap3A_270, %swap3A_271] {strides = array<i32>} : memref<4x128xi32, #tpu.memory_space<vmem>>, vector<1x16xi32>,
    %swap3A_273 = vector.shape_cast %swap3A_272 : vector<1x16xi32> to vector<16xi32>
    %swap3A_274 = vector.shape_cast %add3A_268 : vector<16xi32> to vector<1x16xi32>
    tpu.vector_store %arg6[%swap3A_270, %swap3A_271], %swap3A_274 {strides = array<i32>} : memref<4x128xi32, #tpu.memory_space<vmem>>, vector<1x16xi32>,
    %get3A_275 = arith.constant 2 : i32
    %get3A_276 = arith.index_cast %get3A_275 : i32 to index
    %get3A_277 = arith.constant 64 : index
    %get3A_278 = tpu.vector_load %arg6[%get3A_276, %get3A_277] {strides = array<i32>} : memref<4x128xi32, #tpu.memory_space<vmem>>, vector<1x16xi32>,
    %get3A_279 = vector.shape_cast %get3A_278 : vector<1x16xi32> to vector<16xi32>
    %add3A_280 = arith.addi %get3A_279, %get3A_279 : vector<16xi32>
    %swap3A_281 = arith.constant 2 : i32
    %swap3A_282 = arith.index_cast %swap3A_281 : i32 to index
    %swap3A_283 = arith.constant 64 : index
    %swap3A_284 = tpu.vector_load %arg6[%swap3A_282, %swap3A_283] {strides = array<i32>} : memref<4x128xi32, #tpu.memory_space<vmem>>, vector<1x16xi32>,
    %swap3A_285 = vector.shape_cast %swap3A_284 : vector<1x16xi32> to vector<16xi32>
    %swap3A_286 = vector.shape_cast %add3A_280 : vector<16xi32> to vector<1x16xi32>
    tpu.vector_store %arg6[%swap3A_282, %swap3A_283], %swap3A_286 {strides = array<i32>} : memref<4x128xi32, #tpu.memory_space<vmem>>, vector<1x16xi32>,
    %get3A_287 = arith.constant 2 : i32
    %get3A_288 = arith.index_cast %get3A_287 : i32 to index
    %get3A_289 = arith.constant 80 : index
    %get3A_290 = tpu.vector_load %arg6[%get3A_288, %get3A_289] {strides = array<i32>} : memref<4x128xi32, #tpu.memory_space<vmem>>, vector<1x16xi32>,
    %get3A_291 = vector.shape_cast %get3A_290 : vector<1x16xi32> to vector<16xi32>
    %add3A_292 = arith.addi %get3A_291, %get3A_291 : vector<16xi32>
    %swap3A_293 = arith.constant 2 : i32
    %swap3A_294 = arith.index_cast %swap3A_293 : i32 to index
    %swap3A_295 = arith.constant 80 : index
    %swap3A_296 = tpu.vector_load %arg6[%swap3A_294, %swap3A_295] {strides = array<i32>} : memref<4x128xi32, #tpu.memory_space<vmem>>, vector<1x16xi32>,
    %swap3A_297 = vector.shape_cast %swap3A_296 : vector<1x16xi32> to vector<16xi32>
    %swap3A_298 = vector.shape_cast %add3A_292 : vector<16xi32> to vector<1x16xi32>
    tpu.vector_store %arg6[%swap3A_294, %swap3A_295], %swap3A_298 {strides = array<i32>} : memref<4x128xi32, #tpu.memory_space<vmem>>, vector<1x16xi32>,
    %get3A_299 = arith.constant 2 : i32
    %get3A_300 = arith.index_cast %get3A_299 : i32 to index
    %get3A_301 = arith.constant 96 : index
    %get3A_302 = tpu.vector_load %arg6[%get3A_300, %get3A_301] {strides = array<i32>} : memref<4x128xi32, #tpu.memory_space<vmem>>, vector<1x16xi32>,
    %get3A_303 = vector.shape_cast %get3A_302 : vector<1x16xi32> to vector<16xi32>
    %add3A_304 = arith.addi %get3A_303, %get3A_303 : vector<16xi32>
    %swap3A_305 = arith.constant 2 : i32
    %swap3A_306 = arith.index_cast %swap3A_305 : i32 to index
    %swap3A_307 = arith.constant 96 : index
    %swap3A_308 = tpu.vector_load %arg6[%swap3A_306, %swap3A_307] {strides = array<i32>} : memref<4x128xi32, #tpu.memory_space<vmem>>, vector<1x16xi32>,
    %swap3A_309 = vector.shape_cast %swap3A_308 : vector<1x16xi32> to vector<16xi32>
    %swap3A_310 = vector.shape_cast %add3A_304 : vector<16xi32> to vector<1x16xi32>
    tpu.vector_store %arg6[%swap3A_306, %swap3A_307], %swap3A_310 {strides = array<i32>} : memref<4x128xi32, #tpu.memory_space<vmem>>, vector<1x16xi32>,
    %get3A_311 = arith.constant 2 : i32
    %get3A_312 = arith.index_cast %get3A_311 : i32 to index
    %get3A_313 = arith.constant 112 : index
    %get3A_314 = tpu.vector_load %arg6[%get3A_312, %get3A_313] {strides = array<i32>} : memref<4x128xi32, #tpu.memory_space<vmem>>, vector<1x16xi32>,
    %get3A_315 = vector.shape_cast %get3A_314 : vector<1x16xi32> to vector<16xi32>
    %add3A_316 = arith.addi %get3A_315, %get3A_315 : vector<16xi32>
    %swap3A_317 = arith.constant 2 : i32
    %swap3A_318 = arith.index_cast %swap3A_317 : i32 to index
    %swap3A_319 = arith.constant 112 : index
    %swap3A_320 = tpu.vector_load %arg6[%swap3A_318, %swap3A_319] {strides = array<i32>} : memref<4x128xi32, #tpu.memory_space<vmem>>, vector<1x16xi32>,
    %swap3A_321 = vector.shape_cast %swap3A_320 : vector<1x16xi32> to vector<16xi32>
    %swap3A_322 = vector.shape_cast %add3A_316 : vector<16xi32> to vector<1x16xi32>
    tpu.vector_store %arg6[%swap3A_318, %swap3A_319], %swap3A_322 {strides = array<i32>} : memref<4x128xi32, #tpu.memory_space<vmem>>, vector<1x16xi32>,
    %dma_start3A_323 = arith.constant 2 : i32
    %dma_start3A_324 = arith.constant 256 : i32
    %dma_start3A_325 = arith.constant 0 : i32
    %dma_start3A_326 = tpu.memref_slice %arg8[%dma_start3A_324, %dma_start3A_325] : memref<512x64xf32, #tpu.memory_space<vmem>> -> memref<128x64xf32, #tpu.memory_space<vmem>>
    %dma_start3A_327 = arith.constant 0 : i32
    %dma_start3A_328 = tpu.memref_slice %arg6[%dma_start3A_323, %dma_start3A_327] : memref<4x128xi32, #tpu.memory_space<vmem>> -> memref<1x128xi32, #tpu.memory_space<vmem>>
    %dma_start3A_329 = tpu.memref_squeeze %dma_start3A_328 : memref<1x128xi32, #tpu.memory_space<vmem>> -> memref<128xi32, #tpu.memory_space<vmem>>
    %dma_start3A_330 = arith.constant 0 : i32
    %dma_start3A_331 = arith.constant 0 : i32
    %dma_start3A_332 = tpu.memref_slice %arg4[%dma_start3A_330, %dma_start3A_331] : memref<2002x64xf32, #tpu.memory_space<hbm>> -> memref<2002x64xf32, #tpu.memory_space<hbm>>
    tpu.enqueue_indirect_dma source(%dma_start3A_332 : memref<2002x64xf32, #tpu.memory_space<hbm>>) target(%dma_start3A_326 : memref<128x64xf32, #tpu.memory_space<vmem>>) offsets(%dma_start3A_329 : memref<128xi32, #tpu.memory_space<vmem>>) semaphore(%arg10 : memref<!tpu.dma_semaphore, #tpu.memory_space<semaphore_mem>>)
    %get3A_333 = arith.constant 3 : i32
    %get3A_334 = arith.index_cast %get3A_333 : i32 to index
    %get3A_335 = arith.constant 0 : index
    %get3A_336 = tpu.vector_load %arg6[%get3A_334, %get3A_335] {strides = array<i32>} : memref<4x128xi32, #tpu.memory_space<vmem>>, vector<1x16xi32>,
    %get3A_337 = vector.shape_cast %get3A_336 : vector<1x16xi32> to vector<16xi32>
    %add3A_338 = arith.addi %get3A_337, %get3A_337 : vector<16xi32>
    %swap3A_339 = arith.constant 3 : i32
    %swap3A_340 = arith.index_cast %swap3A_339 : i32 to index
    %swap3A_341 = arith.constant 0 : index
    %swap3A_342 = tpu.vector_load %arg6[%swap3A_340, %swap3A_341] {strides = array<i32>} : memref<4x128xi32, #tpu.memory_space<vmem>>, vector<1x16xi32>,
    %swap3A_343 = vector.shape_cast %swap3A_342 : vector<1x16xi32> to vector<16xi32>
    %swap3A_344 = vector.shape_cast %add3A_338 : vector<16xi32> to vector<1x16xi32>
    tpu.vector_store %arg6[%swap3A_340, %swap3A_341], %swap3A_344 {strides = array<i32>} : memref<4x128xi32, #tpu.memory_space<vmem>>, vector<1x16xi32>,
    %get3A_345 = arith.constant 3 : i32
    %get3A_346 = arith.index_cast %get3A_345 : i32 to index
    %get3A_347 = arith.constant 16 : index
    %get3A_348 = tpu.vector_load %arg6[%get3A_346, %get3A_347] {strides = array<i32>} : memref<4x128xi32, #tpu.memory_space<vmem>>, vector<1x16xi32>,
    %get3A_349 = vector.shape_cast %get3A_348 : vector<1x16xi32> to vector<16xi32>
    %add3A_350 = arith.addi %get3A_349, %get3A_349 : vector<16xi32>
    %swap3A_351 = arith.constant 3 : i32
    %swap3A_352 = arith.index_cast %swap3A_351 : i32 to index
    %swap3A_353 = arith.constant 16 : index
    %swap3A_354 = tpu.vector_load %arg6[%swap3A_352, %swap3A_353] {strides = array<i32>} : memref<4x128xi32, #tpu.memory_space<vmem>>, vector<1x16xi32>,
    %swap3A_355 = vector.shape_cast %swap3A_354 : vector<1x16xi32> to vector<16xi32>
    %swap3A_356 = vector.shape_cast %add3A_350 : vector<16xi32> to vector<1x16xi32>
    tpu.vector_store %arg6[%swap3A_352, %swap3A_353], %swap3A_356 {strides = array<i32>} : memref<4x128xi32, #tpu.memory_space<vmem>>, vector<1x16xi32>,
    %get3A_357 = arith.constant 3 : i32
    %get3A_358 = arith.index_cast %get3A_357 : i32 to index
    %get3A_359 = arith.constant 32 : index
    %get3A_360 = tpu.vector_load %arg6[%get3A_358, %get3A_359] {strides = array<i32>} : memref<4x128xi32, #tpu.memory_space<vmem>>, vector<1x16xi32>,
    %get3A_361 = vector.shape_cast %get3A_360 : vector<1x16xi32> to vector<16xi32>
    %add3A_362 = arith.addi %get3A_361, %get3A_361 : vector<16xi32>
    %swap3A_363 = arith.constant 3 : i32
    %swap3A_364 = arith.index_cast %swap3A_363 : i32 to index
    %swap3A_365 = arith.constant 32 : index
    %swap3A_366 = tpu.vector_load %arg6[%swap3A_364, %swap3A_365] {strides = array<i32>} : memref<4x128xi32, #tpu.memory_space<vmem>>, vector<1x16xi32>,
    %swap3A_367 = vector.shape_cast %swap3A_366 : vector<1x16xi32> to vector<16xi32>
    %swap3A_368 = vector.shape_cast %add3A_362 : vector<16xi32> to vector<1x16xi32>
    tpu.vector_store %arg6[%swap3A_364, %swap3A_365], %swap3A_368 {strides = array<i32>} : memref<4x128xi32, #tpu.memory_space<vmem>>, vector<1x16xi32>,
    %get3A_369 = arith.constant 3 : i32
    %get3A_370 = arith.index_cast %get3A_369 : i32 to index
    %get3A_371 = arith.constant 48 : index
    %get3A_372 = tpu.vector_load %arg6[%get3A_370, %get3A_371] {strides = array<i32>} : memref<4x128xi32, #tpu.memory_space<vmem>>, vector<1x16xi32>,
    %get3A_373 = vector.shape_cast %get3A_372 : vector<1x16xi32> to vector<16xi32>
    %add3A_374 = arith.addi %get3A_373, %get3A_373 : vector<16xi32>
    %swap3A_375 = arith.constant 3 : i32
    %swap3A_376 = arith.index_cast %swap3A_375 : i32 to index
    %swap3A_377 = arith.constant 48 : index
    %swap3A_378 = tpu.vector_load %arg6[%swap3A_376, %swap3A_377] {strides = array<i32>} : memref<4x128xi32, #tpu.memory_space<vmem>>, vector<1x16xi32>,
    %swap3A_379 = vector.shape_cast %swap3A_378 : vector<1x16xi32> to vector<16xi32>
    %swap3A_380 = vector.shape_cast %add3A_374 : vector<16xi32> to vector<1x16xi32>
    tpu.vector_store %arg6[%swap3A_376, %swap3A_377], %swap3A_380 {strides = array<i32>} : memref<4x128xi32, #tpu.memory_space<vmem>>, vector<1x16xi32>,
    %get3A_381 = arith.constant 3 : i32
    %get3A_382 = arith.index_cast %get3A_381 : i32 to index
    %get3A_383 = arith.constant 64 : index
    %get3A_384 = tpu.vector_load %arg6[%get3A_382, %get3A_383] {strides = array<i32>} : memref<4x128xi32, #tpu.memory_space<vmem>>, vector<1x16xi32>,
    %get3A_385 = vector.shape_cast %get3A_384 : vector<1x16xi32> to vector<16xi32>
    %add3A_386 = arith.addi %get3A_385, %get3A_385 : vector<16xi32>
    %swap3A_387 = arith.constant 3 : i32
    %swap3A_388 = arith.index_cast %swap3A_387 : i32 to index
    %swap3A_389 = arith.constant 64 : index
    %swap3A_390 = tpu.vector_load %arg6[%swap3A_388, %swap3A_389] {strides = array<i32>} : memref<4x128xi32, #tpu.memory_space<vmem>>, vector<1x16xi32>,
    %swap3A_391 = vector.shape_cast %swap3A_390 : vector<1x16xi32> to vector<16xi32>
    %swap3A_392 = vector.shape_cast %add3A_386 : vector<16xi32> to vector<1x16xi32>
    tpu.vector_store %arg6[%swap3A_388, %swap3A_389], %swap3A_392 {strides = array<i32>} : memref<4x128xi32, #tpu.memory_space<vmem>>, vector<1x16xi32>,
    %get3A_393 = arith.constant 3 : i32
    %get3A_394 = arith.index_cast %get3A_393 : i32 to index
    %get3A_395 = arith.constant 80 : index
    %get3A_396 = tpu.vector_load %arg6[%get3A_394, %get3A_395] {strides = array<i32>} : memref<4x128xi32, #tpu.memory_space<vmem>>, vector<1x16xi32>,
    %get3A_397 = vector.shape_cast %get3A_396 : vector<1x16xi32> to vector<16xi32>
    %add3A_398 = arith.addi %get3A_397, %get3A_397 : vector<16xi32>
    %swap3A_399 = arith.constant 3 : i32
    %swap3A_400 = arith.index_cast %swap3A_399 : i32 to index
    %swap3A_401 = arith.constant 80 : index
    %swap3A_402 = tpu.vector_load %arg6[%swap3A_400, %swap3A_401] {strides = array<i32>} : memref<4x128xi32, #tpu.memory_space<vmem>>, vector<1x16xi32>,
    %swap3A_403 = vector.shape_cast %swap3A_402 : vector<1x16xi32> to vector<16xi32>
    %swap3A_404 = vector.shape_cast %add3A_398 : vector<16xi32> to vector<1x16xi32>
    tpu.vector_store %arg6[%swap3A_400, %swap3A_401], %swap3A_404 {strides = array<i32>} : memref<4x128xi32, #tpu.memory_space<vmem>>, vector<1x16xi32>,
    %get3A_405 = arith.constant 3 : i32
    %get3A_406 = arith.index_cast %get3A_405 : i32 to index
    %get3A_407 = arith.constant 96 : index
    %get3A_408 = tpu.vector_load %arg6[%get3A_406, %get3A_407] {strides = array<i32>} : memref<4x128xi32, #tpu.memory_space<vmem>>, vector<1x16xi32>,
    %get3A_409 = vector.shape_cast %get3A_408 : vector<1x16xi32> to vector<16xi32>
    %add3A_410 = arith.addi %get3A_409, %get3A_409 : vector<16xi32>
    %swap3A_411 = arith.constant 3 : i32
    %swap3A_412 = arith.index_cast %swap3A_411 : i32 to index
    %swap3A_413 = arith.constant 96 : index
    %swap3A_414 = tpu.vector_load %arg6[%swap3A_412, %swap3A_413] {strides = array<i32>} : memref<4x128xi32, #tpu.memory_space<vmem>>, vector<1x16xi32>,
    %swap3A_415 = vector.shape_cast %swap3A_414 : vector<1x16xi32> to vector<16xi32>
    %swap3A_416 = vector.shape_cast %add3A_410 : vector<16xi32> to vector<1x16xi32>
    tpu.vector_store %arg6[%swap3A_412, %swap3A_413], %swap3A_416 {strides = array<i32>} : memref<4x128xi32, #tpu.memory_space<vmem>>, vector<1x16xi32>,
    %get3A_417 = arith.constant 3 : i32
    %get3A_418 = arith.index_cast %get3A_417 : i32 to index
    %get3A_419 = arith.constant 112 : index
    %get3A_420 = tpu.vector_load %arg6[%get3A_418, %get3A_419] {strides = array<i32>} : memref<4x128xi32, #tpu.memory_space<vmem>>, vector<1x16xi32>,
    %get3A_421 = vector.shape_cast %get3A_420 : vector<1x16xi32> to vector<16xi32>
    %add3A_422 = arith.addi %get3A_421, %get3A_421 : vector<16xi32>
    %swap3A_423 = arith.constant 3 : i32
    %swap3A_424 = arith.index_cast %swap3A_423 : i32 to index
    %swap3A_425 = arith.constant 112 : index
    %swap3A_426 = tpu.vector_load %arg6[%swap3A_424, %swap3A_425] {strides = array<i32>} : memref<4x128xi32, #tpu.memory_space<vmem>>, vector<1x16xi32>,
    %swap3A_427 = vector.shape_cast %swap3A_426 : vector<1x16xi32> to vector<16xi32>
    %swap3A_428 = vector.shape_cast %add3A_422 : vector<16xi32> to vector<1x16xi32>
    tpu.vector_store %arg6[%swap3A_424, %swap3A_425], %swap3A_428 {strides = array<i32>} : memref<4x128xi32, #tpu.memory_space<vmem>>, vector<1x16xi32>,
    %dma_start3A_429 = arith.constant 3 : i32
    %dma_start3A_430 = arith.constant 384 : i32
    %dma_start3A_431 = arith.constant 0 : i32
    %dma_start3A_432 = tpu.memref_slice %arg8[%dma_start3A_430, %dma_start3A_431] : memref<512x64xf32, #tpu.memory_space<vmem>> -> memref<128x64xf32, #tpu.memory_space<vmem>>
    %dma_start3A_433 = arith.constant 0 : i32
    %dma_start3A_434 = tpu.memref_slice %arg6[%dma_start3A_429, %dma_start3A_433] : memref<4x128xi32, #tpu.memory_space<vmem>> -> memref<1x128xi32, #tpu.memory_space<vmem>>
    %dma_start3A_435 = tpu.memref_squeeze %dma_start3A_434 : memref<1x128xi32, #tpu.memory_space<vmem>> -> memref<128xi32, #tpu.memory_space<vmem>>
    %dma_start3A_436 = arith.constant 0 : i32
    %dma_start3A_437 = arith.constant 0 : i32
    %dma_start3A_438 = tpu.memref_slice %arg4[%dma_start3A_436, %dma_start3A_437] : memref<2002x64xf32, #tpu.memory_space<hbm>> -> memref<2002x64xf32, #tpu.memory_space<hbm>>
    tpu.enqueue_indirect_dma source(%dma_start3A_438 : memref<2002x64xf32, #tpu.memory_space<hbm>>) target(%dma_start3A_432 : memref<128x64xf32, #tpu.memory_space<vmem>>) offsets(%dma_start3A_435 : memref<128xi32, #tpu.memory_space<vmem>>) semaphore(%arg10 : memref<!tpu.dma_semaphore, #tpu.memory_space<semaphore_mem>>)
    %dma_wait3A_439 = arith.constant 0 : i32
    %dma_wait3A_440 = tpu.memref_slice %arg3[%mul3A_9, %dma_wait3A_439] : memref<128x128xi32, #tpu.memory_space<hbm>> -> memref<4x128xi32, #tpu.memory_space<hbm>>
    %dma_wait3A_441 = arith.constant 0 : i32
    %dma_wait3A_442 = tpu.memref_slice %arg3[%mul3A_9, %dma_wait3A_441] : memref<128x128xi32, #tpu.memory_space<hbm>> -> memref<4x128xi32, #tpu.memory_space<hbm>>
    tpu.wait_dma2 semaphore(%arg11 : memref<!tpu.dma_semaphore, #tpu.memory_space<semaphore_mem>>) src(%dma_wait3A_442 : memref<4x128xi32, #tpu.memory_space<hbm>>) dst(%arg7 : memref<4x128xi32, #tpu.memory_space<vmem>>)
    %get3A_443 = arith.constant 0 : i32
    %get3A_444 = arith.index_cast %get3A_443 : i32 to index
    %get3A_445 = arith.constant 0 : index
    %get3A_446 = tpu.vector_load %arg7[%get3A_444, %get3A_445] {strides = array<i32>} : memref<4x128xi32, #tpu.memory_space<vmem>>, vector<1x16xi32>,
    %get3A_447 = vector.shape_cast %get3A_446 : vector<1x16xi32> to vector<16xi32>
    %add3A_448 = arith.addi %get3A_447, %get3A_447 : vector<16xi32>
    %add3A_449 = arith.constant 1 : i32
    %add3A_450 = vector.broadcast %add3A_449 : i32 to vector<16xi32>
    %add3A_451 = arith.addi %add3A_448, %add3A_450 : vector<16xi32>
    %swap3A_452 = arith.constant 0 : i32
    %swap3A_453 = arith.index_cast %swap3A_452 : i32 to index
    %swap3A_454 = arith.constant 0 : index
    %swap3A_455 = tpu.vector_load %arg7[%swap3A_453, %swap3A_454] {strides = array<i32>} : memref<4x128xi32, #tpu.memory_space<vmem>>, vector<1x16xi32>,
    %swap3A_456 = vector.shape_cast %swap3A_455 : vector<1x16xi32> to vector<16xi32>
    %swap3A_457 = vector.shape_cast %add3A_451 : vector<16xi32> to vector<1x16xi32>
    tpu.vector_store %arg7[%swap3A_453, %swap3A_454], %swap3A_457 {strides = array<i32>} : memref<4x128xi32, #tpu.memory_space<vmem>>, vector<1x16xi32>,
    %get3A_458 = arith.constant 0 : i32
    %get3A_459 = arith.index_cast %get3A_458 : i32 to index
    %get3A_460 = arith.constant 16 : index
    %get3A_461 = tpu.vector_load %arg7[%get3A_459, %get3A_460] {strides = array<i32>} : memref<4x128xi32, #tpu.memory_space<vmem>>, vector<1x16xi32>,
    %get3A_462 = vector.shape_cast %get3A_461 : vector<1x16xi32> to vector<16xi32>
    %add3A_463 = arith.addi %get3A_462, %get3A_462 : vector<16xi32>
    %add3A_464 = arith.constant 1 : i32
    %add3A_465 = vector.broadcast %add3A_464 : i32 to vector<16xi32>
    %add3A_466 = arith.addi %add3A_463, %add3A_465 : vector<16xi32>
    %swap3A_467 = arith.constant 0 : i32
    %swap3A_468 = arith.index_cast %swap3A_467 : i32 to index
    %swap3A_469 = arith.constant 16 : index
    %swap3A_470 = tpu.vector_load %arg7[%swap3A_468, %swap3A_469] {strides = array<i32>} : memref<4x128xi32, #tpu.memory_space<vmem>>, vector<1x16xi32>,
    %swap3A_471 = vector.shape_cast %swap3A_470 : vector<1x16xi32> to vector<16xi32>
    %swap3A_472 = vector.shape_cast %add3A_466 : vector<16xi32> to vector<1x16xi32>
    tpu.vector_store %arg7[%swap3A_468, %swap3A_469], %swap3A_472 {strides = array<i32>} : memref<4x128xi32, #tpu.memory_space<vmem>>, vector<1x16xi32>,
    %get3A_473 = arith.constant 0 : i32
    %get3A_474 = arith.index_cast %get3A_473 : i32 to index
    %get3A_475 = arith.constant 32 : index
    %get3A_476 = tpu.vector_load %arg7[%get3A_474, %get3A_475] {strides = array<i32>} : memref<4x128xi32, #tpu.memory_space<vmem>>, vector<1x16xi32>,
    %get3A_477 = vector.shape_cast %get3A_476 : vector<1x16xi32> to vector<16xi32>
    %add3A_478 = arith.addi %get3A_477, %get3A_477 : vector<16xi32>
    %add3A_479 = arith.constant 1 : i32
    %add3A_480 = vector.broadcast %add3A_479 : i32 to vector<16xi32>
    %add3A_481 = arith.addi %add3A_478, %add3A_480 : vector<16xi32>
    %swap3A_482 = arith.constant 0 : i32
    %swap3A_483 = arith.index_cast %swap3A_482 : i32 to index
    %swap3A_484 = arith.constant 32 : index
    %swap3A_485 = tpu.vector_load %arg7[%swap3A_483, %swap3A_484] {strides = array<i32>} : memref<4x128xi32, #tpu.memory_space<vmem>>, vector<1x16xi32>,
    %swap3A_486 = vector.shape_cast %swap3A_485 : vector<1x16xi32> to vector<16xi32>
    %swap3A_487 = vector.shape_cast %add3A_481 : vector<16xi32> to vector<1x16xi32>
    tpu.vector_store %arg7[%swap3A_483, %swap3A_484], %swap3A_487 {strides = array<i32>} : memref<4x128xi32, #tpu.memory_space<vmem>>, vector<1x16xi32>,
    %get3A_488 = arith.constant 0 : i32
    %get3A_489 = arith.index_cast %get3A_488 : i32 to index
    %get3A_490 = arith.constant 48 : index
    %get3A_491 = tpu.vector_load %arg7[%get3A_489, %get3A_490] {strides = array<i32>} : memref<4x128xi32, #tpu.memory_space<vmem>>, vector<1x16xi32>,
    %get3A_492 = vector.shape_cast %get3A_491 : vector<1x16xi32> to vector<16xi32>
    %add3A_493 = arith.addi %get3A_492, %get3A_492 : vector<16xi32>
    %add3A_494 = arith.constant 1 : i32
    %add3A_495 = vector.broadcast %add3A_494 : i32 to vector<16xi32>
    %add3A_496 = arith.addi %add3A_493, %add3A_495 : vector<16xi32>
    %swap3A_497 = arith.constant 0 : i32
    %swap3A_498 = arith.index_cast %swap3A_497 : i32 to index
    %swap3A_499 = arith.constant 48 : index
    %swap3A_500 = tpu.vector_load %arg7[%swap3A_498, %swap3A_499] {strides = array<i32>} : memref<4x128xi32, #tpu.memory_space<vmem>>, vector<1x16xi32>,
    %swap3A_501 = vector.shape_cast %swap3A_500 : vector<1x16xi32> to vector<16xi32>
    %swap3A_502 = vector.shape_cast %add3A_496 : vector<16xi32> to vector<1x16xi32>
    tpu.vector_store %arg7[%swap3A_498, %swap3A_499], %swap3A_502 {strides = array<i32>} : memref<4x128xi32, #tpu.memory_space<vmem>>, vector<1x16xi32>,
    %get3A_503 = arith.constant 0 : i32
    %get3A_504 = arith.index_cast %get3A_503 : i32 to index
    %get3A_505 = arith.constant 64 : index
    %get3A_506 = tpu.vector_load %arg7[%get3A_504, %get3A_505] {strides = array<i32>} : memref<4x128xi32, #tpu.memory_space<vmem>>, vector<1x16xi32>,
    %get3A_507 = vector.shape_cast %get3A_506 : vector<1x16xi32> to vector<16xi32>
    %add3A_508 = arith.addi %get3A_507, %get3A_507 : vector<16xi32>
    %add3A_509 = arith.constant 1 : i32
    %add3A_510 = vector.broadcast %add3A_509 : i32 to vector<16xi32>
    %add3A_511 = arith.addi %add3A_508, %add3A_510 : vector<16xi32>
    %swap3A_512 = arith.constant 0 : i32
    %swap3A_513 = arith.index_cast %swap3A_512 : i32 to index
    %swap3A_514 = arith.constant 64 : index
    %swap3A_515 = tpu.vector_load %arg7[%swap3A_513, %swap3A_514] {strides = array<i32>} : memref<4x128xi32, #tpu.memory_space<vmem>>, vector<1x16xi32>,
    %swap3A_516 = vector.shape_cast %swap3A_515 : vector<1x16xi32> to vector<16xi32>
    %swap3A_517 = vector.shape_cast %add3A_511 : vector<16xi32> to vector<1x16xi32>
    tpu.vector_store %arg7[%swap3A_513, %swap3A_514], %swap3A_517 {strides = array<i32>} : memref<4x128xi32, #tpu.memory_space<vmem>>, vector<1x16xi32>,
    %get3A_518 = arith.constant 0 : i32
    %get3A_519 = arith.index_cast %get3A_518 : i32 to index
    %get3A_520 = arith.constant 80 : index
    %get3A_521 = tpu.vector_load %arg7[%get3A_519, %get3A_520] {strides = array<i32>} : memref<4x128xi32, #tpu.memory_space<vmem>>, vector<1x16xi32>,
    %get3A_522 = vector.shape_cast %get3A_521 : vector<1x16xi32> to vector<16xi32>
    %add3A_523 = arith.addi %get3A_522, %get3A_522 : vector<16xi32>
    %add3A_524 = arith.constant 1 : i32
    %add3A_525 = vector.broadcast %add3A_524 : i32 to vector<16xi32>
    %add3A_526 = arith.addi %add3A_523, %add3A_525 : vector<16xi32>
    %swap3A_527 = arith.constant 0 : i32
    %swap3A_528 = arith.index_cast %swap3A_527 : i32 to index
    %swap3A_529 = arith.constant 80 : index
    %swap3A_530 = tpu.vector_load %arg7[%swap3A_528, %swap3A_529] {strides = array<i32>} : memref<4x128xi32, #tpu.memory_space<vmem>>, vector<1x16xi32>,
    %swap3A_531 = vector.shape_cast %swap3A_530 : vector<1x16xi32> to vector<16xi32>
    %swap3A_532 = vector.shape_cast %add3A_526 : vector<16xi32> to vector<1x16xi32>
    tpu.vector_store %arg7[%swap3A_528, %swap3A_529], %swap3A_532 {strides = array<i32>} : memref<4x128xi32, #tpu.memory_space<vmem>>, vector<1x16xi32>,
    %get3A_533 = arith.constant 0 : i32
    %get3A_534 = arith.index_cast %get3A_533 : i32 to index
    %get3A_535 = arith.constant 96 : index
    %get3A_536 = tpu.vector_load %arg7[%get3A_534, %get3A_535] {strides = array<i32>} : memref<4x128xi32, #tpu.memory_space<vmem>>, vector<1x16xi32>,
    %get3A_537 = vector.shape_cast %get3A_536 : vector<1x16xi32> to vector<16xi32>
    %add3A_538 = arith.addi %get3A_537, %get3A_537 : vector<16xi32>
    %add3A_539 = arith.constant 1 : i32
    %add3A_540 = vector.broadcast %add3A_539 : i32 to vector<16xi32>
    %add3A_541 = arith.addi %add3A_538, %add3A_540 : vector<16xi32>
    %swap3A_542 = arith.constant 0 : i32
    %swap3A_543 = arith.index_cast %swap3A_542 : i32 to index
    %swap3A_544 = arith.constant 96 : index
    %swap3A_545 = tpu.vector_load %arg7[%swap3A_543, %swap3A_544] {strides = array<i32>} : memref<4x128xi32, #tpu.memory_space<vmem>>, vector<1x16xi32>,
    %swap3A_546 = vector.shape_cast %swap3A_545 : vector<1x16xi32> to vector<16xi32>
    %swap3A_547 = vector.shape_cast %add3A_541 : vector<16xi32> to vector<1x16xi32>
    tpu.vector_store %arg7[%swap3A_543, %swap3A_544], %swap3A_547 {strides = array<i32>} : memref<4x128xi32, #tpu.memory_space<vmem>>, vector<1x16xi32>,
    %get3A_548 = arith.constant 0 : i32
    %get3A_549 = arith.index_cast %get3A_548 : i32 to index
    %get3A_550 = arith.constant 112 : index
    %get3A_551 = tpu.vector_load %arg7[%get3A_549, %get3A_550] {strides = array<i32>} : memref<4x128xi32, #tpu.memory_space<vmem>>, vector<1x16xi32>,
    %get3A_552 = vector.shape_cast %get3A_551 : vector<1x16xi32> to vector<16xi32>
    %add3A_553 = arith.addi %get3A_552, %get3A_552 : vector<16xi32>
    %add3A_554 = arith.constant 1 : i32
    %add3A_555 = vector.broadcast %add3A_554 : i32 to vector<16xi32>
    %add3A_556 = arith.addi %add3A_553, %add3A_555 : vector<16xi32>
    %swap3A_557 = arith.constant 0 : i32
    %swap3A_558 = arith.index_cast %swap3A_557 : i32 to index
    %swap3A_559 = arith.constant 112 : index
    %swap3A_560 = tpu.vector_load %arg7[%swap3A_558, %swap3A_559] {strides = array<i32>} : memref<4x128xi32, #tpu.memory_space<vmem>>, vector<1x16xi32>,
    %swap3A_561 = vector.shape_cast %swap3A_560 : vector<1x16xi32> to vector<16xi32>
    %swap3A_562 = vector.shape_cast %add3A_556 : vector<16xi32> to vector<1x16xi32>
    tpu.vector_store %arg7[%swap3A_558, %swap3A_559], %swap3A_562 {strides = array<i32>} : memref<4x128xi32, #tpu.memory_space<vmem>>, vector<1x16xi32>,
    %dma_start3A_563 = arith.constant 0 : i32
    %dma_start3A_564 = arith.constant 0 : i32
    %dma_start3A_565 = arith.constant 0 : i32
    %dma_start3A_566 = tpu.memref_slice %arg9[%dma_start3A_564, %dma_start3A_565] : memref<512x64xf32, #tpu.memory_space<vmem>> -> memref<128x64xf32, #tpu.memory_space<vmem>>
    %dma_start3A_567 = arith.constant 0 : i32
    %dma_start3A_568 = tpu.memref_slice %arg7[%dma_start3A_563, %dma_start3A_567] : memref<4x128xi32, #tpu.memory_space<vmem>> -> memref<1x128xi32, #tpu.memory_space<vmem>>
    %dma_start3A_569 = tpu.memref_squeeze %dma_start3A_568 : memref<1x128xi32, #tpu.memory_space<vmem>> -> memref<128xi32, #tpu.memory_space<vmem>>
    %dma_start3A_570 = arith.constant 0 : i32
    %dma_start3A_571 = arith.constant 0 : i32
    %dma_start3A_572 = tpu.memref_slice %arg4[%dma_start3A_570, %dma_start3A_571] : memref<2002x64xf32, #tpu.memory_space<hbm>> -> memref<2002x64xf32, #tpu.memory_space<hbm>>
    tpu.enqueue_indirect_dma source(%dma_start3A_572 : memref<2002x64xf32, #tpu.memory_space<hbm>>) target(%dma_start3A_566 : memref<128x64xf32, #tpu.memory_space<vmem>>) offsets(%dma_start3A_569 : memref<128xi32, #tpu.memory_space<vmem>>) semaphore(%arg11 : memref<!tpu.dma_semaphore, #tpu.memory_space<semaphore_mem>>)
    %get3A_573 = arith.constant 1 : i32
    %get3A_574 = arith.index_cast %get3A_573 : i32 to index
    %get3A_575 = arith.constant 0 : index
    %get3A_576 = tpu.vector_load %arg7[%get3A_574, %get3A_575] {strides = array<i32>} : memref<4x128xi32, #tpu.memory_space<vmem>>, vector<1x16xi32>,
    %get3A_577 = vector.shape_cast %get3A_576 : vector<1x16xi32> to vector<16xi32>
    %add3A_578 = arith.addi %get3A_577, %get3A_577 : vector<16xi32>
    %add3A_579 = arith.constant 1 : i32
    %add3A_580 = vector.broadcast %add3A_579 : i32 to vector<16xi32>
    %add3A_581 = arith.addi %add3A_578, %add3A_580 : vector<16xi32>
    %swap3A_582 = arith.constant 1 : i32
    %swap3A_583 = arith.index_cast %swap3A_582 : i32 to index
    %swap3A_584 = arith.constant 0 : index
    %swap3A_585 = tpu.vector_load %arg7[%swap3A_583, %swap3A_584] {strides = array<i32>} : memref<4x128xi32, #tpu.memory_space<vmem>>, vector<1x16xi32>,
    %swap3A_586 = vector.shape_cast %swap3A_585 : vector<1x16xi32> to vector<16xi32>
    %swap3A_587 = vector.shape_cast %add3A_581 : vector<16xi32> to vector<1x16xi32>
    tpu.vector_store %arg7[%swap3A_583, %swap3A_584], %swap3A_587 {strides = array<i32>} : memref<4x128xi32, #tpu.memory_space<vmem>>, vector<1x16xi32>,
    %get3A_588 = arith.constant 1 : i32
    %get3A_589 = arith.index_cast %get3A_588 : i32 to index
    %get3A_590 = arith.constant 16 : index
    %get3A_591 = tpu.vector_load %arg7[%get3A_589, %get3A_590] {strides = array<i32>} : memref<4x128xi32, #tpu.memory_space<vmem>>, vector<1x16xi32>,
    %get3A_592 = vector.shape_cast %get3A_591 : vector<1x16xi32> to vector<16xi32>
    %add3A_593 = arith.addi %get3A_592, %get3A_592 : vector<16xi32>
    %add3A_594 = arith.constant 1 : i32
    %add3A_595 = vector.broadcast %add3A_594 : i32 to vector<16xi32>
    %add3A_596 = arith.addi %add3A_593, %add3A_595 : vector<16xi32>
    %swap3A_597 = arith.constant 1 : i32
    %swap3A_598 = arith.index_cast %swap3A_597 : i32 to index
    %swap3A_599 = arith.constant 16 : index
    %swap3A_600 = tpu.vector_load %arg7[%swap3A_598, %swap3A_599] {strides = array<i32>} : memref<4x128xi32, #tpu.memory_space<vmem>>, vector<1x16xi32>,
    %swap3A_601 = vector.shape_cast %swap3A_600 : vector<1x16xi32> to vector<16xi32>
    %swap3A_602 = vector.shape_cast %add3A_596 : vector<16xi32> to vector<1x16xi32>
    tpu.vector_store %arg7[%swap3A_598, %swap3A_599], %swap3A_602 {strides = array<i32>} : memref<4x128xi32, #tpu.memory_space<vmem>>, vector<1x16xi32>,
    %get3A_603 = arith.constant 1 : i32
    %get3A_604 = arith.index_cast %get3A_603 : i32 to index
    %get3A_605 = arith.constant 32 : index
    %get3A_606 = tpu.vector_load %arg7[%get3A_604, %get3A_605] {strides = array<i32>} : memref<4x128xi32, #tpu.memory_space<vmem>>, vector<1x16xi32>,
    %get3A_607 = vector.shape_cast %get3A_606 : vector<1x16xi32> to vector<16xi32>
    %add3A_608 = arith.addi %get3A_607, %get3A_607 : vector<16xi32>
    %add3A_609 = arith.constant 1 : i32
    %add3A_610 = vector.broadcast %add3A_609 : i32 to vector<16xi32>
    %add3A_611 = arith.addi %add3A_608, %add3A_610 : vector<16xi32>
    %swap3A_612 = arith.constant 1 : i32
    %swap3A_613 = arith.index_cast %swap3A_612 : i32 to index
    %swap3A_614 = arith.constant 32 : index
    %swap3A_615 = tpu.vector_load %arg7[%swap3A_613, %swap3A_614] {strides = array<i32>} : memref<4x128xi32, #tpu.memory_space<vmem>>, vector<1x16xi32>,
    %swap3A_616 = vector.shape_cast %swap3A_615 : vector<1x16xi32> to vector<16xi32>
    %swap3A_617 = vector.shape_cast %add3A_611 : vector<16xi32> to vector<1x16xi32>
    tpu.vector_store %arg7[%swap3A_613, %swap3A_614], %swap3A_617 {strides = array<i32>} : memref<4x128xi32, #tpu.memory_space<vmem>>, vector<1x16xi32>,
    %get3A_618 = arith.constant 1 : i32
    %get3A_619 = arith.index_cast %get3A_618 : i32 to index
    %get3A_620 = arith.constant 48 : index
    %get3A_621 = tpu.vector_load %arg7[%get3A_619, %get3A_620] {strides = array<i32>} : memref<4x128xi32, #tpu.memory_space<vmem>>, vector<1x16xi32>,
    %get3A_622 = vector.shape_cast %get3A_621 : vector<1x16xi32> to vector<16xi32>
    %add3A_623 = arith.addi %get3A_622, %get3A_622 : vector<16xi32>
    %add3A_624 = arith.constant 1 : i32
    %add3A_625 = vector.broadcast %add3A_624 : i32 to vector<16xi32>
    %add3A_626 = arith.addi %add3A_623, %add3A_625 : vector<16xi32>
    %swap3A_627 = arith.constant 1 : i32
    %swap3A_628 = arith.index_cast %swap3A_627 : i32 to index
    %swap3A_629 = arith.constant 48 : index
    %swap3A_630 = tpu.vector_load %arg7[%swap3A_628, %swap3A_629] {strides = array<i32>} : memref<4x128xi32, #tpu.memory_space<vmem>>, vector<1x16xi32>,
    %swap3A_631 = vector.shape_cast %swap3A_630 : vector<1x16xi32> to vector<16xi32>
    %swap3A_632 = vector.shape_cast %add3A_626 : vector<16xi32> to vector<1x16xi32>
    tpu.vector_store %arg7[%swap3A_628, %swap3A_629], %swap3A_632 {strides = array<i32>} : memref<4x128xi32, #tpu.memory_space<vmem>>, vector<1x16xi32>,
    %get3A_633 = arith.constant 1 : i32
    %get3A_634 = arith.index_cast %get3A_633 : i32 to index
    %get3A_635 = arith.constant 64 : index
    %get3A_636 = tpu.vector_load %arg7[%get3A_634, %get3A_635] {strides = array<i32>} : memref<4x128xi32, #tpu.memory_space<vmem>>, vector<1x16xi32>,
    %get3A_637 = vector.shape_cast %get3A_636 : vector<1x16xi32> to vector<16xi32>
    %add3A_638 = arith.addi %get3A_637, %get3A_637 : vector<16xi32>
    %add3A_639 = arith.constant 1 : i32
    %add3A_640 = vector.broadcast %add3A_639 : i32 to vector<16xi32>
    %add3A_641 = arith.addi %add3A_638, %add3A_640 : vector<16xi32>
    %swap3A_642 = arith.constant 1 : i32
    %swap3A_643 = arith.index_cast %swap3A_642 : i32 to index
    %swap3A_644 = arith.constant 64 : index
    %swap3A_645 = tpu.vector_load %arg7[%swap3A_643, %swap3A_644] {strides = array<i32>} : memref<4x128xi32, #tpu.memory_space<vmem>>, vector<1x16xi32>,
    %swap3A_646 = vector.shape_cast %swap3A_645 : vector<1x16xi32> to vector<16xi32>
    %swap3A_647 = vector.shape_cast %add3A_641 : vector<16xi32> to vector<1x16xi32>
    tpu.vector_store %arg7[%swap3A_643, %swap3A_644], %swap3A_647 {strides = array<i32>} : memref<4x128xi32, #tpu.memory_space<vmem>>, vector<1x16xi32>,
    %get3A_648 = arith.constant 1 : i32
    %get3A_649 = arith.index_cast %get3A_648 : i32 to index
    %get3A_650 = arith.constant 80 : index
    %get3A_651 = tpu.vector_load %arg7[%get3A_649, %get3A_650] {strides = array<i32>} : memref<4x128xi32, #tpu.memory_space<vmem>>, vector<1x16xi32>,
    %get3A_652 = vector.shape_cast %get3A_651 : vector<1x16xi32> to vector<16xi32>
    %add3A_653 = arith.addi %get3A_652, %get3A_652 : vector<16xi32>
    %add3A_654 = arith.constant 1 : i32
    %add3A_655 = vector.broadcast %add3A_654 : i32 to vector<16xi32>
    %add3A_656 = arith.addi %add3A_653, %add3A_655 : vector<16xi32>
    %swap3A_657 = arith.constant 1 : i32
    %swap3A_658 = arith.index_cast %swap3A_657 : i32 to index
    %swap3A_659 = arith.constant 80 : index
    %swap3A_660 = tpu.vector_load %arg7[%swap3A_658, %swap3A_659] {strides = array<i32>} : memref<4x128xi32, #tpu.memory_space<vmem>>, vector<1x16xi32>,
    %swap3A_661 = vector.shape_cast %swap3A_660 : vector<1x16xi32> to vector<16xi32>
    %swap3A_662 = vector.shape_cast %add3A_656 : vector<16xi32> to vector<1x16xi32>
    tpu.vector_store %arg7[%swap3A_658, %swap3A_659], %swap3A_662 {strides = array<i32>} : memref<4x128xi32, #tpu.memory_space<vmem>>, vector<1x16xi32>,
    %get3A_663 = arith.constant 1 : i32
    %get3A_664 = arith.index_cast %get3A_663 : i32 to index
    %get3A_665 = arith.constant 96 : index
    %get3A_666 = tpu.vector_load %arg7[%get3A_664, %get3A_665] {strides = array<i32>} : memref<4x128xi32, #tpu.memory_space<vmem>>, vector<1x16xi32>,
    %get3A_667 = vector.shape_cast %get3A_666 : vector<1x16xi32> to vector<16xi32>
    %add3A_668 = arith.addi %get3A_667, %get3A_667 : vector<16xi32>
    %add3A_669 = arith.constant 1 : i32
    %add3A_670 = vector.broadcast %add3A_669 : i32 to vector<16xi32>
    %add3A_671 = arith.addi %add3A_668, %add3A_670 : vector<16xi32>
    %swap3A_672 = arith.constant 1 : i32
    %swap3A_673 = arith.index_cast %swap3A_672 : i32 to index
    %swap3A_674 = arith.constant 96 : index
    %swap3A_675 = tpu.vector_load %arg7[%swap3A_673, %swap3A_674] {strides = array<i32>} : memref<4x128xi32, #tpu.memory_space<vmem>>, vector<1x16xi32>,
    %swap3A_676 = vector.shape_cast %swap3A_675 : vector<1x16xi32> to vector<16xi32>
    %swap3A_677 = vector.shape_cast %add3A_671 : vector<16xi32> to vector<1x16xi32>
    tpu.vector_store %arg7[%swap3A_673, %swap3A_674], %swap3A_677 {strides = array<i32>} : memref<4x128xi32, #tpu.memory_space<vmem>>, vector<1x16xi32>,
    %get3A_678 = arith.constant 1 : i32
    %get3A_679 = arith.index_cast %get3A_678 : i32 to index
    %get3A_680 = arith.constant 112 : index
    %get3A_681 = tpu.vector_load %arg7[%get3A_679, %get3A_680] {strides = array<i32>} : memref<4x128xi32, #tpu.memory_space<vmem>>, vector<1x16xi32>,
    %get3A_682 = vector.shape_cast %get3A_681 : vector<1x16xi32> to vector<16xi32>
    %add3A_683 = arith.addi %get3A_682, %get3A_682 : vector<16xi32>
    %add3A_684 = arith.constant 1 : i32
    %add3A_685 = vector.broadcast %add3A_684 : i32 to vector<16xi32>
    %add3A_686 = arith.addi %add3A_683, %add3A_685 : vector<16xi32>
    %swap3A_687 = arith.constant 1 : i32
    %swap3A_688 = arith.index_cast %swap3A_687 : i32 to index
    %swap3A_689 = arith.constant 112 : index
    %swap3A_690 = tpu.vector_load %arg7[%swap3A_688, %swap3A_689] {strides = array<i32>} : memref<4x128xi32, #tpu.memory_space<vmem>>, vector<1x16xi32>,
    %swap3A_691 = vector.shape_cast %swap3A_690 : vector<1x16xi32> to vector<16xi32>
    %swap3A_692 = vector.shape_cast %add3A_686 : vector<16xi32> to vector<1x16xi32>
    tpu.vector_store %arg7[%swap3A_688, %swap3A_689], %swap3A_692 {strides = array<i32>} : memref<4x128xi32, #tpu.memory_space<vmem>>, vector<1x16xi32>,
    %dma_start3A_693 = arith.constant 1 : i32
    %dma_start3A_694 = arith.constant 128 : i32
    %dma_start3A_695 = arith.constant 0 : i32
    %dma_start3A_696 = tpu.memref_slice %arg9[%dma_start3A_694, %dma_start3A_695] : memref<512x64xf32, #tpu.memory_space<vmem>> -> memref<128x64xf32, #tpu.memory_space<vmem>>
    %dma_start3A_697 = arith.constant 0 : i32
    %dma_start3A_698 = tpu.memref_slice %arg7[%dma_start3A_693, %dma_start3A_697] : memref<4x128xi32, #tpu.memory_space<vmem>> -> memref<1x128xi32, #tpu.memory_space<vmem>>
    %dma_start3A_699 = tpu.memref_squeeze %dma_start3A_698 : memref<1x128xi32, #tpu.memory_space<vmem>> -> memref<128xi32, #tpu.memory_space<vmem>>
    %dma_start3A_700 = arith.constant 0 : i32
    %dma_start3A_701 = arith.constant 0 : i32
    %dma_start3A_702 = tpu.memref_slice %arg4[%dma_start3A_700, %dma_start3A_701] : memref<2002x64xf32, #tpu.memory_space<hbm>> -> memref<2002x64xf32, #tpu.memory_space<hbm>>
    tpu.enqueue_indirect_dma source(%dma_start3A_702 : memref<2002x64xf32, #tpu.memory_space<hbm>>) target(%dma_start3A_696 : memref<128x64xf32, #tpu.memory_space<vmem>>) offsets(%dma_start3A_699 : memref<128xi32, #tpu.memory_space<vmem>>) semaphore(%arg11 : memref<!tpu.dma_semaphore, #tpu.memory_space<semaphore_mem>>)
    %get3A_703 = arith.constant 2 : i32
    %get3A_704 = arith.index_cast %get3A_703 : i32 to index
    %get3A_705 = arith.constant 0 : index
    %get3A_706 = tpu.vector_load %arg7[%get3A_704, %get3A_705] {strides = array<i32>} : memref<4x128xi32, #tpu.memory_space<vmem>>, vector<1x16xi32>,
    %get3A_707 = vector.shape_cast %get3A_706 : vector<1x16xi32> to vector<16xi32>
    %add3A_708 = arith.addi %get3A_707, %get3A_707 : vector<16xi32>
    %add3A_709 = arith.constant 1 : i32
    %add3A_710 = vector.broadcast %add3A_709 : i32 to vector<16xi32>
    %add3A_711 = arith.addi %add3A_708, %add3A_710 : vector<16xi32>
    %swap3A_712 = arith.constant 2 : i32
    %swap3A_713 = arith.index_cast %swap3A_712 : i32 to index
    %swap3A_714 = arith.constant 0 : index
    %swap3A_715 = tpu.vector_load %arg7[%swap3A_713, %swap3A_714] {strides = array<i32>} : memref<4x128xi32, #tpu.memory_space<vmem>>, vector<1x16xi32>,
    %swap3A_716 = vector.shape_cast %swap3A_715 : vector<1x16xi32> to vector<16xi32>
    %swap3A_717 = vector.shape_cast %add3A_711 : vector<16xi32> to vector<1x16xi32>
    tpu.vector_store %arg7[%swap3A_713, %swap3A_714], %swap3A_717 {strides = array<i32>} : memref<4x128xi32, #tpu.memory_space<vmem>>, vector<1x16xi32>,
    %get3A_718 = arith.constant 2 : i32
    %get3A_719 = arith.index_cast %get3A_718 : i32 to index
    %get3A_720 = arith.constant 16 : index
    %get3A_721 = tpu.vector_load %arg7[%get3A_719, %get3A_720] {strides = array<i32>} : memref<4x128xi32, #tpu.memory_space<vmem>>, vector<1x16xi32>,
    %get3A_722 = vector.shape_cast %get3A_721 : vector<1x16xi32> to vector<16xi32>
    %add3A_723 = arith.addi %get3A_722, %get3A_722 : vector<16xi32>
    %add3A_724 = arith.constant 1 : i32
    %add3A_725 = vector.broadcast %add3A_724 : i32 to vector<16xi32>
    %add3A_726 = arith.addi %add3A_723, %add3A_725 : vector<16xi32>
    %swap3A_727 = arith.constant 2 : i32
    %swap3A_728 = arith.index_cast %swap3A_727 : i32 to index
    %swap3A_729 = arith.constant 16 : index
    %swap3A_730 = tpu.vector_load %arg7[%swap3A_728, %swap3A_729] {strides = array<i32>} : memref<4x128xi32, #tpu.memory_space<vmem>>, vector<1x16xi32>,
    %swap3A_731 = vector.shape_cast %swap3A_730 : vector<1x16xi32> to vector<16xi32>
    %swap3A_732 = vector.shape_cast %add3A_726 : vector<16xi32> to vector<1x16xi32>
    tpu.vector_store %arg7[%swap3A_728, %swap3A_729], %swap3A_732 {strides = array<i32>} : memref<4x128xi32, #tpu.memory_space<vmem>>, vector<1x16xi32>,
    %get3A_733 = arith.constant 2 : i32
    %get3A_734 = arith.index_cast %get3A_733 : i32 to index
    %get3A_735 = arith.constant 32 : index
    %get3A_736 = tpu.vector_load %arg7[%get3A_734, %get3A_735] {strides = array<i32>} : memref<4x128xi32, #tpu.memory_space<vmem>>, vector<1x16xi32>,
    %get3A_737 = vector.shape_cast %get3A_736 : vector<1x16xi32> to vector<16xi32>
    %add3A_738 = arith.addi %get3A_737, %get3A_737 : vector<16xi32>
    %add3A_739 = arith.constant 1 : i32
    %add3A_740 = vector.broadcast %add3A_739 : i32 to vector<16xi32>
    %add3A_741 = arith.addi %add3A_738, %add3A_740 : vector<16xi32>
    %swap3A_742 = arith.constant 2 : i32
    %swap3A_743 = arith.index_cast %swap3A_742 : i32 to index
    %swap3A_744 = arith.constant 32 : index
    %swap3A_745 = tpu.vector_load %arg7[%swap3A_743, %swap3A_744] {strides = array<i32>} : memref<4x128xi32, #tpu.memory_space<vmem>>, vector<1x16xi32>,
    %swap3A_746 = vector.shape_cast %swap3A_745 : vector<1x16xi32> to vector<16xi32>
    %swap3A_747 = vector.shape_cast %add3A_741 : vector<16xi32> to vector<1x16xi32>
    tpu.vector_store %arg7[%swap3A_743, %swap3A_744], %swap3A_747 {strides = array<i32>} : memref<4x128xi32, #tpu.memory_space<vmem>>, vector<1x16xi32>,
    %get3A_748 = arith.constant 2 : i32
    %get3A_749 = arith.index_cast %get3A_748 : i32 to index
    %get3A_750 = arith.constant 48 : index
    %get3A_751 = tpu.vector_load %arg7[%get3A_749, %get3A_750] {strides = array<i32>} : memref<4x128xi32, #tpu.memory_space<vmem>>, vector<1x16xi32>,
    %get3A_752 = vector.shape_cast %get3A_751 : vector<1x16xi32> to vector<16xi32>
    %add3A_753 = arith.addi %get3A_752, %get3A_752 : vector<16xi32>
    %add3A_754 = arith.constant 1 : i32
    %add3A_755 = vector.broadcast %add3A_754 : i32 to vector<16xi32>
    %add3A_756 = arith.addi %add3A_753, %add3A_755 : vector<16xi32>
    %swap3A_757 = arith.constant 2 : i32
    %swap3A_758 = arith.index_cast %swap3A_757 : i32 to index
    %swap3A_759 = arith.constant 48 : index
    %swap3A_760 = tpu.vector_load %arg7[%swap3A_758, %swap3A_759] {strides = array<i32>} : memref<4x128xi32, #tpu.memory_space<vmem>>, vector<1x16xi32>,
    %swap3A_761 = vector.shape_cast %swap3A_760 : vector<1x16xi32> to vector<16xi32>
    %swap3A_762 = vector.shape_cast %add3A_756 : vector<16xi32> to vector<1x16xi32>
    tpu.vector_store %arg7[%swap3A_758, %swap3A_759], %swap3A_762 {strides = array<i32>} : memref<4x128xi32, #tpu.memory_space<vmem>>, vector<1x16xi32>,
    %get3A_763 = arith.constant 2 : i32
    %get3A_764 = arith.index_cast %get3A_763 : i32 to index
    %get3A_765 = arith.constant 64 : index
    %get3A_766 = tpu.vector_load %arg7[%get3A_764, %get3A_765] {strides = array<i32>} : memref<4x128xi32, #tpu.memory_space<vmem>>, vector<1x16xi32>,
    %get3A_767 = vector.shape_cast %get3A_766 : vector<1x16xi32> to vector<16xi32>
    %add3A_768 = arith.addi %get3A_767, %get3A_767 : vector<16xi32>
    %add3A_769 = arith.constant 1 : i32
    %add3A_770 = vector.broadcast %add3A_769 : i32 to vector<16xi32>
    %add3A_771 = arith.addi %add3A_768, %add3A_770 : vector<16xi32>
    %swap3A_772 = arith.constant 2 : i32
    %swap3A_773 = arith.index_cast %swap3A_772 : i32 to index
    %swap3A_774 = arith.constant 64 : index
    %swap3A_775 = tpu.vector_load %arg7[%swap3A_773, %swap3A_774] {strides = array<i32>} : memref<4x128xi32, #tpu.memory_space<vmem>>, vector<1x16xi32>,
    %swap3A_776 = vector.shape_cast %swap3A_775 : vector<1x16xi32> to vector<16xi32>
    %swap3A_777 = vector.shape_cast %add3A_771 : vector<16xi32> to vector<1x16xi32>
    tpu.vector_store %arg7[%swap3A_773, %swap3A_774], %swap3A_777 {strides = array<i32>} : memref<4x128xi32, #tpu.memory_space<vmem>>, vector<1x16xi32>,
    %get3A_778 = arith.constant 2 : i32
    %get3A_779 = arith.index_cast %get3A_778 : i32 to index
    %get3A_780 = arith.constant 80 : index
    %get3A_781 = tpu.vector_load %arg7[%get3A_779, %get3A_780] {strides = array<i32>} : memref<4x128xi32, #tpu.memory_space<vmem>>, vector<1x16xi32>,
    %get3A_782 = vector.shape_cast %get3A_781 : vector<1x16xi32> to vector<16xi32>
    %add3A_783 = arith.addi %get3A_782, %get3A_782 : vector<16xi32>
    %add3A_784 = arith.constant 1 : i32
    %add3A_785 = vector.broadcast %add3A_784 : i32 to vector<16xi32>
    %add3A_786 = arith.addi %add3A_783, %add3A_785 : vector<16xi32>
    %swap3A_787 = arith.constant 2 : i32
    %swap3A_788 = arith.index_cast %swap3A_787 : i32 to index
    %swap3A_789 = arith.constant 80 : index
    %swap3A_790 = tpu.vector_load %arg7[%swap3A_788, %swap3A_789] {strides = array<i32>} : memref<4x128xi32, #tpu.memory_space<vmem>>, vector<1x16xi32>,
    %swap3A_791 = vector.shape_cast %swap3A_790 : vector<1x16xi32> to vector<16xi32>
    %swap3A_792 = vector.shape_cast %add3A_786 : vector<16xi32> to vector<1x16xi32>
    tpu.vector_store %arg7[%swap3A_788, %swap3A_789], %swap3A_792 {strides = array<i32>} : memref<4x128xi32, #tpu.memory_space<vmem>>, vector<1x16xi32>,
    %get3A_793 = arith.constant 2 : i32
    %get3A_794 = arith.index_cast %get3A_793 : i32 to index
    %get3A_795 = arith.constant 96 : index
    %get3A_796 = tpu.vector_load %arg7[%get3A_794, %get3A_795] {strides = array<i32>} : memref<4x128xi32, #tpu.memory_space<vmem>>, vector<1x16xi32>,
    %get3A_797 = vector.shape_cast %get3A_796 : vector<1x16xi32> to vector<16xi32>
    %add3A_798 = arith.addi %get3A_797, %get3A_797 : vector<16xi32>
    %add3A_799 = arith.constant 1 : i32
    %add3A_800 = vector.broadcast %add3A_799 : i32 to vector<16xi32>
    %add3A_801 = arith.addi %add3A_798, %add3A_800 : vector<16xi32>
    %swap3A_802 = arith.constant 2 : i32
    %swap3A_803 = arith.index_cast %swap3A_802 : i32 to index
    %swap3A_804 = arith.constant 96 : index
    %swap3A_805 = tpu.vector_load %arg7[%swap3A_803, %swap3A_804] {strides = array<i32>} : memref<4x128xi32, #tpu.memory_space<vmem>>, vector<1x16xi32>,
    %swap3A_806 = vector.shape_cast %swap3A_805 : vector<1x16xi32> to vector<16xi32>
    %swap3A_807 = vector.shape_cast %add3A_801 : vector<16xi32> to vector<1x16xi32>
    tpu.vector_store %arg7[%swap3A_803, %swap3A_804], %swap3A_807 {strides = array<i32>} : memref<4x128xi32, #tpu.memory_space<vmem>>, vector<1x16xi32>,
    %get3A_808 = arith.constant 2 : i32
    %get3A_809 = arith.index_cast %get3A_808 : i32 to index
    %get3A_810 = arith.constant 112 : index
    %get3A_811 = tpu.vector_load %arg7[%get3A_809, %get3A_810] {strides = array<i32>} : memref<4x128xi32, #tpu.memory_space<vmem>>, vector<1x16xi32>,
    %get3A_812 = vector.shape_cast %get3A_811 : vector<1x16xi32> to vector<16xi32>
    %add3A_813 = arith.addi %get3A_812, %get3A_812 : vector<16xi32>
    %add3A_814 = arith.constant 1 : i32
    %add3A_815 = vector.broadcast %add3A_814 : i32 to vector<16xi32>
    %add3A_816 = arith.addi %add3A_813, %add3A_815 : vector<16xi32>
    %swap3A_817 = arith.constant 2 : i32
    %swap3A_818 = arith.index_cast %swap3A_817 : i32 to index
    %swap3A_819 = arith.constant 112 : index
    %swap3A_820 = tpu.vector_load %arg7[%swap3A_818, %swap3A_819] {strides = array<i32>} : memref<4x128xi32, #tpu.memory_space<vmem>>, vector<1x16xi32>,
    %swap3A_821 = vector.shape_cast %swap3A_820 : vector<1x16xi32> to vector<16xi32>
    %swap3A_822 = vector.shape_cast %add3A_816 : vector<16xi32> to vector<1x16xi32>
    tpu.vector_store %arg7[%swap3A_818, %swap3A_819], %swap3A_822 {strides = array<i32>} : memref<4x128xi32, #tpu.memory_space<vmem>>, vector<1x16xi32>,
    %dma_start3A_823 = arith.constant 2 : i32
    %dma_start3A_824 = arith.constant 256 : i32
    %dma_start3A_825 = arith.constant 0 : i32
    %dma_start3A_826 = tpu.memref_slice %arg9[%dma_start3A_824, %dma_start3A_825] : memref<512x64xf32, #tpu.memory_space<vmem>> -> memref<128x64xf32, #tpu.memory_space<vmem>>
    %dma_start3A_827 = arith.constant 0 : i32
    %dma_start3A_828 = tpu.memref_slice %arg7[%dma_start3A_823, %dma_start3A_827] : memref<4x128xi32, #tpu.memory_space<vmem>> -> memref<1x128xi32, #tpu.memory_space<vmem>>
    %dma_start3A_829 = tpu.memref_squeeze %dma_start3A_828 : memref<1x128xi32, #tpu.memory_space<vmem>> -> memref<128xi32, #tpu.memory_space<vmem>>
    %dma_start3A_830 = arith.constant 0 : i32
    %dma_start3A_831 = arith.constant 0 : i32
    %dma_start3A_832 = tpu.memref_slice %arg4[%dma_start3A_830, %dma_start3A_831] : memref<2002x64xf32, #tpu.memory_space<hbm>> -> memref<2002x64xf32, #tpu.memory_space<hbm>>
    tpu.enqueue_indirect_dma source(%dma_start3A_832 : memref<2002x64xf32, #tpu.memory_space<hbm>>) target(%dma_start3A_826 : memref<128x64xf32, #tpu.memory_space<vmem>>) offsets(%dma_start3A_829 : memref<128xi32, #tpu.memory_space<vmem>>) semaphore(%arg11 : memref<!tpu.dma_semaphore, #tpu.memory_space<semaphore_mem>>)
    %get3A_833 = arith.constant 3 : i32
    %get3A_834 = arith.index_cast %get3A_833 : i32 to index
    %get3A_835 = arith.constant 0 : index
    %get3A_836 = tpu.vector_load %arg7[%get3A_834, %get3A_835] {strides = array<i32>} : memref<4x128xi32, #tpu.memory_space<vmem>>, vector<1x16xi32>,
    %get3A_837 = vector.shape_cast %get3A_836 : vector<1x16xi32> to vector<16xi32>
    %add3A_838 = arith.addi %get3A_837, %get3A_837 : vector<16xi32>
    %add3A_839 = arith.constant 1 : i32
    %add3A_840 = vector.broadcast %add3A_839 : i32 to vector<16xi32>
    %add3A_841 = arith.addi %add3A_838, %add3A_840 : vector<16xi32>
    %swap3A_842 = arith.constant 3 : i32
    %swap3A_843 = arith.index_cast %swap3A_842 : i32 to index
    %swap3A_844 = arith.constant 0 : index
    %swap3A_845 = tpu.vector_load %arg7[%swap3A_843, %swap3A_844] {strides = array<i32>} : memref<4x128xi32, #tpu.memory_space<vmem>>, vector<1x16xi32>,
    %swap3A_846 = vector.shape_cast %swap3A_845 : vector<1x16xi32> to vector<16xi32>
    %swap3A_847 = vector.shape_cast %add3A_841 : vector<16xi32> to vector<1x16xi32>
    tpu.vector_store %arg7[%swap3A_843, %swap3A_844], %swap3A_847 {strides = array<i32>} : memref<4x128xi32, #tpu.memory_space<vmem>>, vector<1x16xi32>,
    %get3A_848 = arith.constant 3 : i32
    %get3A_849 = arith.index_cast %get3A_848 : i32 to index
    %get3A_850 = arith.constant 16 : index
    %get3A_851 = tpu.vector_load %arg7[%get3A_849, %get3A_850] {strides = array<i32>} : memref<4x128xi32, #tpu.memory_space<vmem>>, vector<1x16xi32>,
    %get3A_852 = vector.shape_cast %get3A_851 : vector<1x16xi32> to vector<16xi32>
    %add3A_853 = arith.addi %get3A_852, %get3A_852 : vector<16xi32>
    %add3A_854 = arith.constant 1 : i32
    %add3A_855 = vector.broadcast %add3A_854 : i32 to vector<16xi32>
    %add3A_856 = arith.addi %add3A_853, %add3A_855 : vector<16xi32>
    %swap3A_857 = arith.constant 3 : i32
    %swap3A_858 = arith.index_cast %swap3A_857 : i32 to index
    %swap3A_859 = arith.constant 16 : index
    %swap3A_860 = tpu.vector_load %arg7[%swap3A_858, %swap3A_859] {strides = array<i32>} : memref<4x128xi32, #tpu.memory_space<vmem>>, vector<1x16xi32>,
    %swap3A_861 = vector.shape_cast %swap3A_860 : vector<1x16xi32> to vector<16xi32>
    %swap3A_862 = vector.shape_cast %add3A_856 : vector<16xi32> to vector<1x16xi32>
    tpu.vector_store %arg7[%swap3A_858, %swap3A_859], %swap3A_862 {strides = array<i32>} : memref<4x128xi32, #tpu.memory_space<vmem>>, vector<1x16xi32>,
    %get3A_863 = arith.constant 3 : i32
    %get3A_864 = arith.index_cast %get3A_863 : i32 to index
    %get3A_865 = arith.constant 32 : index
    %get3A_866 = tpu.vector_load %arg7[%get3A_864, %get3A_865] {strides = array<i32>} : memref<4x128xi32, #tpu.memory_space<vmem>>, vector<1x16xi32>,
    %get3A_867 = vector.shape_cast %get3A_866 : vector<1x16xi32> to vector<16xi32>
    %add3A_868 = arith.addi %get3A_867, %get3A_867 : vector<16xi32>
    %add3A_869 = arith.constant 1 : i32
    %add3A_870 = vector.broadcast %add3A_869 : i32 to vector<16xi32>
    %add3A_871 = arith.addi %add3A_868, %add3A_870 : vector<16xi32>
    %swap3A_872 = arith.constant 3 : i32
    %swap3A_873 = arith.index_cast %swap3A_872 : i32 to index
    %swap3A_874 = arith.constant 32 : index
    %swap3A_875 = tpu.vector_load %arg7[%swap3A_873, %swap3A_874] {strides = array<i32>} : memref<4x128xi32, #tpu.memory_space<vmem>>, vector<1x16xi32>,
    %swap3A_876 = vector.shape_cast %swap3A_875 : vector<1x16xi32> to vector<16xi32>
    %swap3A_877 = vector.shape_cast %add3A_871 : vector<16xi32> to vector<1x16xi32>
    tpu.vector_store %arg7[%swap3A_873, %swap3A_874], %swap3A_877 {strides = array<i32>} : memref<4x128xi32, #tpu.memory_space<vmem>>, vector<1x16xi32>,
    %get3A_878 = arith.constant 3 : i32
    %get3A_879 = arith.index_cast %get3A_878 : i32 to index
    %get3A_880 = arith.constant 48 : index
    %get3A_881 = tpu.vector_load %arg7[%get3A_879, %get3A_880] {strides = array<i32>} : memref<4x128xi32, #tpu.memory_space<vmem>>, vector<1x16xi32>,
    %get3A_882 = vector.shape_cast %get3A_881 : vector<1x16xi32> to vector<16xi32>
    %add3A_883 = arith.addi %get3A_882, %get3A_882 : vector<16xi32>
    %add3A_884 = arith.constant 1 : i32
    %add3A_885 = vector.broadcast %add3A_884 : i32 to vector<16xi32>
    %add3A_886 = arith.addi %add3A_883, %add3A_885 : vector<16xi32>
    %swap3A_887 = arith.constant 3 : i32
    %swap3A_888 = arith.index_cast %swap3A_887 : i32 to index
    %swap3A_889 = arith.constant 48 : index
    %swap3A_890 = tpu.vector_load %arg7[%swap3A_888, %swap3A_889] {strides = array<i32>} : memref<4x128xi32, #tpu.memory_space<vmem>>, vector<1x16xi32>,
    %swap3A_891 = vector.shape_cast %swap3A_890 : vector<1x16xi32> to vector<16xi32>
    %swap3A_892 = vector.shape_cast %add3A_886 : vector<16xi32> to vector<1x16xi32>
    tpu.vector_store %arg7[%swap3A_888, %swap3A_889], %swap3A_892 {strides = array<i32>} : memref<4x128xi32, #tpu.memory_space<vmem>>, vector<1x16xi32>,
    %get3A_893 = arith.constant 3 : i32
    %get3A_894 = arith.index_cast %get3A_893 : i32 to index
    %get3A_895 = arith.constant 64 : index
    %get3A_896 = tpu.vector_load %arg7[%get3A_894, %get3A_895] {strides = array<i32>} : memref<4x128xi32, #tpu.memory_space<vmem>>, vector<1x16xi32>,
    %get3A_897 = vector.shape_cast %get3A_896 : vector<1x16xi32> to vector<16xi32>
    %add3A_898 = arith.addi %get3A_897, %get3A_897 : vector<16xi32>
    %add3A_899 = arith.constant 1 : i32
    %add3A_900 = vector.broadcast %add3A_899 : i32 to vector<16xi32>
    %add3A_901 = arith.addi %add3A_898, %add3A_900 : vector<16xi32>
    %swap3A_902 = arith.constant 3 : i32
    %swap3A_903 = arith.index_cast %swap3A_902 : i32 to index
    %swap3A_904 = arith.constant 64 : index
    %swap3A_905 = tpu.vector_load %arg7[%swap3A_903, %swap3A_904] {strides = array<i32>} : memref<4x128xi32, #tpu.memory_space<vmem>>, vector<1x16xi32>,
    %swap3A_906 = vector.shape_cast %swap3A_905 : vector<1x16xi32> to vector<16xi32>
    %swap3A_907 = vector.shape_cast %add3A_901 : vector<16xi32> to vector<1x16xi32>
    tpu.vector_store %arg7[%swap3A_903, %swap3A_904], %swap3A_907 {strides = array<i32>} : memref<4x128xi32, #tpu.memory_space<vmem>>, vector<1x16xi32>,
    %get3A_908 = arith.constant 3 : i32
    %get3A_909 = arith.index_cast %get3A_908 : i32 to index
    %get3A_910 = arith.constant 80 : index
    %get3A_911 = tpu.vector_load %arg7[%get3A_909, %get3A_910] {strides = array<i32>} : memref<4x128xi32, #tpu.memory_space<vmem>>, vector<1x16xi32>,
    %get3A_912 = vector.shape_cast %get3A_911 : vector<1x16xi32> to vector<16xi32>
    %add3A_913 = arith.addi %get3A_912, %get3A_912 : vector<16xi32>
    %add3A_914 = arith.constant 1 : i32
    %add3A_915 = vector.broadcast %add3A_914 : i32 to vector<16xi32>
    %add3A_916 = arith.addi %add3A_913, %add3A_915 : vector<16xi32>
    %swap3A_917 = arith.constant 3 : i32
    %swap3A_918 = arith.index_cast %swap3A_917 : i32 to index
    %swap3A_919 = arith.constant 80 : index
    %swap3A_920 = tpu.vector_load %arg7[%swap3A_918, %swap3A_919] {strides = array<i32>} : memref<4x128xi32, #tpu.memory_space<vmem>>, vector<1x16xi32>,
    %swap3A_921 = vector.shape_cast %swap3A_920 : vector<1x16xi32> to vector<16xi32>
    %swap3A_922 = vector.shape_cast %add3A_916 : vector<16xi32> to vector<1x16xi32>
    tpu.vector_store %arg7[%swap3A_918, %swap3A_919], %swap3A_922 {strides = array<i32>} : memref<4x128xi32, #tpu.memory_space<vmem>>, vector<1x16xi32>,
    %get3A_923 = arith.constant 3 : i32
    %get3A_924 = arith.index_cast %get3A_923 : i32 to index
    %get3A_925 = arith.constant 96 : index
    %get3A_926 = tpu.vector_load %arg7[%get3A_924, %get3A_925] {strides = array<i32>} : memref<4x128xi32, #tpu.memory_space<vmem>>, vector<1x16xi32>,
    %get3A_927 = vector.shape_cast %get3A_926 : vector<1x16xi32> to vector<16xi32>
    %add3A_928 = arith.addi %get3A_927, %get3A_927 : vector<16xi32>
    %add3A_929 = arith.constant 1 : i32
    %add3A_930 = vector.broadcast %add3A_929 : i32 to vector<16xi32>
    %add3A_931 = arith.addi %add3A_928, %add3A_930 : vector<16xi32>
    %swap3A_932 = arith.constant 3 : i32
    %swap3A_933 = arith.index_cast %swap3A_932 : i32 to index
    %swap3A_934 = arith.constant 96 : index
    %swap3A_935 = tpu.vector_load %arg7[%swap3A_933, %swap3A_934] {strides = array<i32>} : memref<4x128xi32, #tpu.memory_space<vmem>>, vector<1x16xi32>,
    %swap3A_936 = vector.shape_cast %swap3A_935 : vector<1x16xi32> to vector<16xi32>
    %swap3A_937 = vector.shape_cast %add3A_931 : vector<16xi32> to vector<1x16xi32>
    tpu.vector_store %arg7[%swap3A_933, %swap3A_934], %swap3A_937 {strides = array<i32>} : memref<4x128xi32, #tpu.memory_space<vmem>>, vector<1x16xi32>,
    %get3A_938 = arith.constant 3 : i32
    %get3A_939 = arith.index_cast %get3A_938 : i32 to index
    %get3A_940 = arith.constant 112 : index
    %get3A_941 = tpu.vector_load %arg7[%get3A_939, %get3A_940] {strides = array<i32>} : memref<4x128xi32, #tpu.memory_space<vmem>>, vector<1x16xi32>,
    %get3A_942 = vector.shape_cast %get3A_941 : vector<1x16xi32> to vector<16xi32>
    %add3A_943 = arith.addi %get3A_942, %get3A_942 : vector<16xi32>
    %add3A_944 = arith.constant 1 : i32
    %add3A_945 = vector.broadcast %add3A_944 : i32 to vector<16xi32>
    %add3A_946 = arith.addi %add3A_943, %add3A_945 : vector<16xi32>
    %swap3A_947 = arith.constant 3 : i32
    %swap3A_948 = arith.index_cast %swap3A_947 : i32 to index
    %swap3A_949 = arith.constant 112 : index
    %swap3A_950 = tpu.vector_load %arg7[%swap3A_948, %swap3A_949] {strides = array<i32>} : memref<4x128xi32, #tpu.memory_space<vmem>>, vector<1x16xi32>,
    %swap3A_951 = vector.shape_cast %swap3A_950 : vector<1x16xi32> to vector<16xi32>
    %swap3A_952 = vector.shape_cast %add3A_946 : vector<16xi32> to vector<1x16xi32>
    tpu.vector_store %arg7[%swap3A_948, %swap3A_949], %swap3A_952 {strides = array<i32>} : memref<4x128xi32, #tpu.memory_space<vmem>>, vector<1x16xi32>,
    %dma_start3A_953 = arith.constant 3 : i32
    %dma_start3A_954 = arith.constant 384 : i32
    %dma_start3A_955 = arith.constant 0 : i32
    %dma_start3A_956 = tpu.memref_slice %arg9[%dma_start3A_954, %dma_start3A_955] : memref<512x64xf32, #tpu.memory_space<vmem>> -> memref<128x64xf32, #tpu.memory_space<vmem>>
    %dma_start3A_957 = arith.constant 0 : i32
    %dma_start3A_958 = tpu.memref_slice %arg7[%dma_start3A_953, %dma_start3A_957] : memref<4x128xi32, #tpu.memory_space<vmem>> -> memref<1x128xi32, #tpu.memory_space<vmem>>
    %dma_start3A_959 = tpu.memref_squeeze %dma_start3A_958 : memref<1x128xi32, #tpu.memory_space<vmem>> -> memref<128xi32, #tpu.memory_space<vmem>>
    %dma_start3A_960 = arith.constant 0 : i32
    %dma_start3A_961 = arith.constant 0 : i32
    %dma_start3A_962 = tpu.memref_slice %arg4[%dma_start3A_960, %dma_start3A_961] : memref<2002x64xf32, #tpu.memory_space<hbm>> -> memref<2002x64xf32, #tpu.memory_space<hbm>>
    tpu.enqueue_indirect_dma source(%dma_start3A_962 : memref<2002x64xf32, #tpu.memory_space<hbm>>) target(%dma_start3A_956 : memref<128x64xf32, #tpu.memory_space<vmem>>) offsets(%dma_start3A_959 : memref<128xi32, #tpu.memory_space<vmem>>) semaphore(%arg11 : memref<!tpu.dma_semaphore, #tpu.memory_space<semaphore_mem>>)
    %dma_wait3A_963 = arith.constant 0 : i32
    %dma_wait3A_964 = arith.constant 0 : i32
    %dma_wait3A_965 = arith.constant 0 : i32
    %dma_wait3A_966 = tpu.memref_slice %arg8[%dma_wait3A_964, %dma_wait3A_965] : memref<512x64xf32, #tpu.memory_space<vmem>> -> memref<128x64xf32, #tpu.memory_space<vmem>>
    %dma_wait3A_967 = arith.constant 0 : i32
    %dma_wait3A_968 = tpu.memref_slice %arg6[%dma_wait3A_963, %dma_wait3A_967] : memref<4x128xi32, #tpu.memory_space<vmem>> -> memref<1x128xi32, #tpu.memory_space<vmem>>
    %dma_wait3A_969 = tpu.memref_squeeze %dma_wait3A_968 : memref<1x128xi32, #tpu.memory_space<vmem>> -> memref<128xi32, #tpu.memory_space<vmem>>
    %dma_wait3A_970 = arith.constant 0 : i32
    %dma_wait3A_971 = arith.constant 0 : i32
    %dma_wait3A_972 = tpu.memref_slice %arg4[%dma_wait3A_970, %dma_wait3A_971] : memref<2002x64xf32, #tpu.memory_space<hbm>> -> memref<2002x64xf32, #tpu.memory_space<hbm>>
    tpu.wait_indirect_dma semaphore(%arg10 : memref<!tpu.dma_semaphore, #tpu.memory_space<semaphore_mem>>) src(%dma_wait3A_972 : memref<2002x64xf32, #tpu.memory_space<hbm>>) dst(%dma_wait3A_966 : memref<128x64xf32, #tpu.memory_space<vmem>>)
    %dma_wait3A_973 = arith.constant 1 : i32
    %dma_wait3A_974 = arith.constant 128 : i32
    %dma_wait3A_975 = arith.constant 0 : i32
    %dma_wait3A_976 = tpu.memref_slice %arg8[%dma_wait3A_974, %dma_wait3A_975] : memref<512x64xf32, #tpu.memory_space<vmem>> -> memref<128x64xf32, #tpu.memory_space<vmem>>
    %dma_wait3A_977 = arith.constant 0 : i32
    %dma_wait3A_978 = tpu.memref_slice %arg6[%dma_wait3A_973, %dma_wait3A_977] : memref<4x128xi32, #tpu.memory_space<vmem>> -> memref<1x128xi32, #tpu.memory_space<vmem>>
    %dma_wait3A_979 = tpu.memref_squeeze %dma_wait3A_978 : memref<1x128xi32, #tpu.memory_space<vmem>> -> memref<128xi32, #tpu.memory_space<vmem>>
    %dma_wait3A_980 = arith.constant 0 : i32
    %dma_wait3A_981 = arith.constant 0 : i32
    %dma_wait3A_982 = tpu.memref_slice %arg4[%dma_wait3A_980, %dma_wait3A_981] : memref<2002x64xf32, #tpu.memory_space<hbm>> -> memref<2002x64xf32, #tpu.memory_space<hbm>>
    tpu.wait_indirect_dma semaphore(%arg10 : memref<!tpu.dma_semaphore, #tpu.memory_space<semaphore_mem>>) src(%dma_wait3A_982 : memref<2002x64xf32, #tpu.memory_space<hbm>>) dst(%dma_wait3A_976 : memref<128x64xf32, #tpu.memory_space<vmem>>)
    %dma_wait3A_983 = arith.constant 2 : i32
    %dma_wait3A_984 = arith.constant 256 : i32
    %dma_wait3A_985 = arith.constant 0 : i32
    %dma_wait3A_986 = tpu.memref_slice %arg8[%dma_wait3A_984, %dma_wait3A_985] : memref<512x64xf32, #tpu.memory_space<vmem>> -> memref<128x64xf32, #tpu.memory_space<vmem>>
    %dma_wait3A_987 = arith.constant 0 : i32
    %dma_wait3A_988 = tpu.memref_slice %arg6[%dma_wait3A_983, %dma_wait3A_987] : memref<4x128xi32, #tpu.memory_space<vmem>> -> memref<1x128xi32, #tpu.memory_space<vmem>>
    %dma_wait3A_989 = tpu.memref_squeeze %dma_wait3A_988 : memref<1x128xi32, #tpu.memory_space<vmem>> -> memref<128xi32, #tpu.memory_space<vmem>>
    %dma_wait3A_990 = arith.constant 0 : i32
    %dma_wait3A_991 = arith.constant 0 : i32
    %dma_wait3A_992 = tpu.memref_slice %arg4[%dma_wait3A_990, %dma_wait3A_991] : memref<2002x64xf32, #tpu.memory_space<hbm>> -> memref<2002x64xf32, #tpu.memory_space<hbm>>
    tpu.wait_indirect_dma semaphore(%arg10 : memref<!tpu.dma_semaphore, #tpu.memory_space<semaphore_mem>>) src(%dma_wait3A_992 : memref<2002x64xf32, #tpu.memory_space<hbm>>) dst(%dma_wait3A_986 : memref<128x64xf32, #tpu.memory_space<vmem>>)
    %dma_wait3A_993 = arith.constant 3 : i32
    %dma_wait3A_994 = arith.constant 384 : i32
    %dma_wait3A_995 = arith.constant 0 : i32
    %dma_wait3A_996 = tpu.memref_slice %arg8[%dma_wait3A_994, %dma_wait3A_995] : memref<512x64xf32, #tpu.memory_space<vmem>> -> memref<128x64xf32, #tpu.memory_space<vmem>>
    %dma_wait3A_997 = arith.constant 0 : i32
    %dma_wait3A_998 = tpu.memref_slice %arg6[%dma_wait3A_993, %dma_wait3A_997] : memref<4x128xi32, #tpu.memory_space<vmem>> -> memref<1x128xi32, #tpu.memory_space<vmem>>
    %dma_wait3A_999 = tpu.memref_squeeze %dma_wait3A_998 : memref<1x128xi32, #tpu.memory_space<vmem>> -> memref<128xi32, #tpu.memory_space<vmem>>
    %dma_wait3A_1000 = arith.constant 0 : i32
    %dma_wait3A_1001 = arith.constant 0 : i32
    %dma_wait3A_1002 = tpu.memref_slice %arg4[%dma_wait3A_1000, %dma_wait3A_1001] : memref<2002x64xf32, #tpu.memory_space<hbm>> -> memref<2002x64xf32, #tpu.memory_space<hbm>>
    tpu.wait_indirect_dma semaphore(%arg10 : memref<!tpu.dma_semaphore, #tpu.memory_space<semaphore_mem>>) src(%dma_wait3A_1002 : memref<2002x64xf32, #tpu.memory_space<hbm>>) dst(%dma_wait3A_996 : memref<128x64xf32, #tpu.memory_space<vmem>>)
    %dma_start3A_1003 = arith.constant 0 : i32
    %dma_start3A_1004 = tpu.memref_slice %arg5[%mul3A_2, %dma_start3A_1003] : memref<16384x128xf32, #tpu.memory_space<hbm>> -> memref<512x64xf32, #tpu.memory_space<hbm>>
    %dma_start3A_1005 = arith.constant 0 : i32
    %dma_start3A_1006 = tpu.memref_slice %arg5[%mul3A_2, %dma_start3A_1005] : memref<16384x128xf32, #tpu.memory_space<hbm>> -> memref<512x64xf32, #tpu.memory_space<hbm>>
    tpu.enqueue_dma source(%arg8 : memref<512x64xf32, #tpu.memory_space<vmem>>) target(%dma_start3A_1006 : memref<512x64xf32, #tpu.memory_space<hbm>>) target_semaphore(%arg12 : memref<!tpu.dma_semaphore, #tpu.memory_space<semaphore_mem>>)
    %dma_wait3A_1007 = arith.constant 0 : i32
    %dma_wait3A_1008 = arith.constant 0 : i32
    %dma_wait3A_1009 = arith.constant 0 : i32
    %dma_wait3A_1010 = tpu.memref_slice %arg9[%dma_wait3A_1008, %dma_wait3A_1009] : memref<512x64xf32, #tpu.memory_space<vmem>> -> memref<128x64xf32, #tpu.memory_space<vmem>>
    %dma_wait3A_1011 = arith.constant 0 : i32
    %dma_wait3A_1012 = tpu.memref_slice %arg7[%dma_wait3A_1007, %dma_wait3A_1011] : memref<4x128xi32, #tpu.memory_space<vmem>> -> memref<1x128xi32, #tpu.memory_space<vmem>>
    %dma_wait3A_1013 = tpu.memref_squeeze %dma_wait3A_1012 : memref<1x128xi32, #tpu.memory_space<vmem>> -> memref<128xi32, #tpu.memory_space<vmem>>
    %dma_wait3A_1014 = arith.constant 0 : i32
    %dma_wait3A_1015 = arith.constant 0 : i32
    %dma_wait3A_1016 = tpu.memref_slice %arg4[%dma_wait3A_1014, %dma_wait3A_1015] : memref<2002x64xf32, #tpu.memory_space<hbm>> -> memref<2002x64xf32, #tpu.memory_space<hbm>>
    tpu.wait_indirect_dma semaphore(%arg11 : memref<!tpu.dma_semaphore, #tpu.memory_space<semaphore_mem>>) src(%dma_wait3A_1016 : memref<2002x64xf32, #tpu.memory_space<hbm>>) dst(%dma_wait3A_1010 : memref<128x64xf32, #tpu.memory_space<vmem>>)
    %dma_wait3A_1017 = arith.constant 1 : i32
    %dma_wait3A_1018 = arith.constant 128 : i32
    %dma_wait3A_1019 = arith.constant 0 : i32
    %dma_wait3A_1020 = tpu.memref_slice %arg9[%dma_wait3A_1018, %dma_wait3A_1019] : memref<512x64xf32, #tpu.memory_space<vmem>> -> memref<128x64xf32, #tpu.memory_space<vmem>>
    %dma_wait3A_1021 = arith.constant 0 : i32
    %dma_wait3A_1022 = tpu.memref_slice %arg7[%dma_wait3A_1017, %dma_wait3A_1021] : memref<4x128xi32, #tpu.memory_space<vmem>> -> memref<1x128xi32, #tpu.memory_space<vmem>>
    %dma_wait3A_1023 = tpu.memref_squeeze %dma_wait3A_1022 : memref<1x128xi32, #tpu.memory_space<vmem>> -> memref<128xi32, #tpu.memory_space<vmem>>
    %dma_wait3A_1024 = arith.constant 0 : i32
    %dma_wait3A_1025 = arith.constant 0 : i32
    %dma_wait3A_1026 = tpu.memref_slice %arg4[%dma_wait3A_1024, %dma_wait3A_1025] : memref<2002x64xf32, #tpu.memory_space<hbm>> -> memref<2002x64xf32, #tpu.memory_space<hbm>>
    tpu.wait_indirect_dma semaphore(%arg11 : memref<!tpu.dma_semaphore, #tpu.memory_space<semaphore_mem>>) src(%dma_wait3A_1026 : memref<2002x64xf32, #tpu.memory_space<hbm>>) dst(%dma_wait3A_1020 : memref<128x64xf32, #tpu.memory_space<vmem>>)
    %dma_wait3A_1027 = arith.constant 2 : i32
    %dma_wait3A_1028 = arith.constant 256 : i32
    %dma_wait3A_1029 = arith.constant 0 : i32
    %dma_wait3A_1030 = tpu.memref_slice %arg9[%dma_wait3A_1028, %dma_wait3A_1029] : memref<512x64xf32, #tpu.memory_space<vmem>> -> memref<128x64xf32, #tpu.memory_space<vmem>>
    %dma_wait3A_1031 = arith.constant 0 : i32
    %dma_wait3A_1032 = tpu.memref_slice %arg7[%dma_wait3A_1027, %dma_wait3A_1031] : memref<4x128xi32, #tpu.memory_space<vmem>> -> memref<1x128xi32, #tpu.memory_space<vmem>>
    %dma_wait3A_1033 = tpu.memref_squeeze %dma_wait3A_1032 : memref<1x128xi32, #tpu.memory_space<vmem>> -> memref<128xi32, #tpu.memory_space<vmem>>
    %dma_wait3A_1034 = arith.constant 0 : i32
    %dma_wait3A_1035 = arith.constant 0 : i32
    %dma_wait3A_1036 = tpu.memref_slice %arg4[%dma_wait3A_1034, %dma_wait3A_1035] : memref<2002x64xf32, #tpu.memory_space<hbm>> -> memref<2002x64xf32, #tpu.memory_space<hbm>>
    tpu.wait_indirect_dma semaphore(%arg11 : memref<!tpu.dma_semaphore, #tpu.memory_space<semaphore_mem>>) src(%dma_wait3A_1036 : memref<2002x64xf32, #tpu.memory_space<hbm>>) dst(%dma_wait3A_1030 : memref<128x64xf32, #tpu.memory_space<vmem>>)
    %dma_wait3A_1037 = arith.constant 3 : i32
    %dma_wait3A_1038 = arith.constant 384 : i32
    %dma_wait3A_1039 = arith.constant 0 : i32
    %dma_wait3A_1040 = tpu.memref_slice %arg9[%dma_wait3A_1038, %dma_wait3A_1039] : memref<512x64xf32, #tpu.memory_space<vmem>> -> memref<128x64xf32, #tpu.memory_space<vmem>>
    %dma_wait3A_1041 = arith.constant 0 : i32
    %dma_wait3A_1042 = tpu.memref_slice %arg7[%dma_wait3A_1037, %dma_wait3A_1041] : memref<4x128xi32, #tpu.memory_space<vmem>> -> memref<1x128xi32, #tpu.memory_space<vmem>>
    %dma_wait3A_1043 = tpu.memref_squeeze %dma_wait3A_1042 : memref<1x128xi32, #tpu.memory_space<vmem>> -> memref<128xi32, #tpu.memory_space<vmem>>
    %dma_wait3A_1044 = arith.constant 0 : i32
    %dma_wait3A_1045 = arith.constant 0 : i32
    %dma_wait3A_1046 = tpu.memref_slice %arg4[%dma_wait3A_1044, %dma_wait3A_1045] : memref<2002x64xf32, #tpu.memory_space<hbm>> -> memref<2002x64xf32, #tpu.memory_space<hbm>>
    tpu.wait_indirect_dma semaphore(%arg11 : memref<!tpu.dma_semaphore, #tpu.memory_space<semaphore_mem>>) src(%dma_wait3A_1046 : memref<2002x64xf32, #tpu.memory_space<hbm>>) dst(%dma_wait3A_1040 : memref<128x64xf32, #tpu.memory_space<vmem>>)
    %dma_start3A_1047 = arith.constant 64 : i32
    %dma_start3A_1048 = tpu.memref_slice %arg5[%mul3A_2, %dma_start3A_1047] : memref<16384x128xf32, #tpu.memory_space<hbm>> -> memref<512x64xf32, #tpu.memory_space<hbm>>
    %dma_start3A_1049 = arith.constant 64 : i32
    %dma_start3A_1050 = tpu.memref_slice %arg5[%mul3A_2, %dma_start3A_1049] : memref<16384x128xf32, #tpu.memory_space<hbm>> -> memref<512x64xf32, #tpu.memory_space<hbm>>
    tpu.enqueue_dma source(%arg9 : memref<512x64xf32, #tpu.memory_space<vmem>>) target(%dma_start3A_1050 : memref<512x64xf32, #tpu.memory_space<hbm>>) target_semaphore(%arg12 : memref<!tpu.dma_semaphore, #tpu.memory_space<semaphore_mem>>)
    %dma_wait3A_1051 = arith.constant 0 : i32
    %dma_wait3A_1052 = tpu.memref_slice %arg5[%mul3A_2, %dma_wait3A_1051] : memref<16384x128xf32, #tpu.memory_space<hbm>> -> memref<512x64xf32, #tpu.memory_space<hbm>>
    %dma_wait3A_1053 = arith.constant 0 : i32
    %dma_wait3A_1054 = tpu.memref_slice %arg5[%mul3A_2, %dma_wait3A_1053] : memref<16384x128xf32, #tpu.memory_space<hbm>> -> memref<512x64xf32, #tpu.memory_space<hbm>>
    tpu.wait_dma2 semaphore(%arg12 : memref<!tpu.dma_semaphore, #tpu.memory_space<semaphore_mem>>) src(%arg8 : memref<512x64xf32, #tpu.memory_space<vmem>>) dst(%dma_wait3A_1054 : memref<512x64xf32, #tpu.memory_space<hbm>>)
    %dma_wait3A_1055 = arith.constant 64 : i32
    %dma_wait3A_1056 = tpu.memref_slice %arg5[%mul3A_2, %dma_wait3A_1055] : memref<16384x128xf32, #tpu.memory_space<hbm>> -> memref<512x64xf32, #tpu.memory_space<hbm>>
    %dma_wait3A_1057 = arith.constant 64 : i32
    %dma_wait3A_1058 = tpu.memref_slice %arg5[%mul3A_2, %dma_wait3A_1057] : memref<16384x128xf32, #tpu.memory_space<hbm>> -> memref<512x64xf32, #tpu.memory_space<hbm>>
    tpu.wait_dma2 semaphore(%arg12 : memref<!tpu.dma_semaphore, #tpu.memory_space<semaphore_mem>>) src(%arg9 : memref<512x64xf32, #tpu.memory_space<vmem>>) dst(%dma_wait3A_1058 : memref<512x64xf32, #tpu.memory_space<hbm>>)
    return
  }
}

module attributes {stable_mosaic.version = 14 : i64} {
  func.func @_tc_body(%arg0: i32, %arg1: memref<8192x128xf32, #tpu.memory_space<vmem>>, %arg2: memref<128x128xf32, #tpu.memory_space<vmem>>, %arg3: memref<1x128xf32, #tpu.memory_space<vmem>>, %arg4: memref<128x64xf32, #tpu.memory_space<vmem>>, %arg5: memref<1x64xf32, #tpu.memory_space<vmem>>, %arg6: memref<64x32xf32, #tpu.memory_space<vmem>>, %arg7: memref<1x32xf32, #tpu.memory_space<vmem>>, %arg8: memref<1x64xf32, #tpu.memory_space<vmem>>, %arg9: memref<1xf32, #tpu.memory_space<smem>>, %arg10: memref<64x128xf32, #tpu.memory_space<vmem>>) attributes {dimension_semantics = [#tpu.dimension_semantics<arbitrary>], iteration_bounds = array<i64: 2>, scalar_prefetch = 0 : i64, scratch_operands = 0 : i64, tpu.core_type = #tpu.core_type<tc>, window_params = [{transform_indices = @transform_0, window_bounds = array<i64: 8192, 128>}, {pipeline_mode = #tpu.pipeline_mode<synchronous>, transform_indices = @transform_1, window_bounds = array<i64: 128, 128>}, {pipeline_mode = #tpu.pipeline_mode<synchronous>, transform_indices = @transform_2, window_bounds = array<i64: 1, 128>}, {pipeline_mode = #tpu.pipeline_mode<synchronous>, transform_indices = @transform_3, window_bounds = array<i64: 128, 64>}, {pipeline_mode = #tpu.pipeline_mode<synchronous>, transform_indices = @transform_4, window_bounds = array<i64: 1, 64>}, {pipeline_mode = #tpu.pipeline_mode<synchronous>, transform_indices = @transform_5, window_bounds = array<i64: 64, 32>}, {pipeline_mode = #tpu.pipeline_mode<synchronous>, transform_indices = @transform_6, window_bounds = array<i64: 1, 32>}, {pipeline_mode = #tpu.pipeline_mode<synchronous>, transform_indices = @transform_7, window_bounds = array<i64: 1, 64>}, {transform_indices = @transform_8, window_bounds = array<i64: 1>}, {transform_indices = @transform_9, window_bounds = array<i64: 64, 128>}]} {
    %get3A = arith.constant 0 : index
    %get3A_0 = arith.constant 0 : index
    %get3A_1 = vector.load %arg1[%get3A, %get3A_0] : memref<8192x128xf32, #tpu.memory_space<vmem>>, vector<8192x128xf32>
    %slice3A = vector.extract_strided_slice %get3A_1 {offsets = [0, 0], sizes = [8192, 32], strides = [1, 1]} : vector<8192x128xf32> to vector<8192x32xf32>
    %slice3A_2 = vector.extract_strided_slice %get3A_1 {offsets = [0, 64], sizes = [8192, 32], strides = [1, 1]} : vector<8192x128xf32> to vector<8192x32xf32>
    %mul3A = arith.mulf %slice3A, %slice3A_2 : vector<8192x32xf32>
    %get3A_3 = arith.constant 0 : index
    %get3A_4 = arith.constant 0 : index
    %get3A_5 = vector.load %arg2[%get3A_3, %get3A_4] : memref<128x128xf32, #tpu.memory_space<vmem>>, vector<128x128xf32>
    %dot_general3A = arith.constant dense<0.000000e+00> : vector<8192x128xf32>
    %dot_general3A_6 = tpu.matmul %get3A_1, %get3A_5, %dot_general3A {dimension_numbers = #tpu.dot_dimension_numbers<[1], [0], [0], [1], [0, 0, 1, 1], [], []>, transpose_lhs_hint = false} : vector<8192x128xf32>, vector<128x128xf32>, vector<8192x128xf32> -> vector<8192x128xf32>
    %get3A_7 = arith.constant 0 : index
    %get3A_8 = arith.constant 0 : index
    %get3A_9 = vector.load %arg3[%get3A_7, %get3A_8] : memref<1x128xf32, #tpu.memory_space<vmem>>, vector<1x128xf32>
    %add3A = vector.broadcast %get3A_9 : vector<1x128xf32> to vector<8192x128xf32>
    %add3A_10 = arith.addf %dot_general3A_6, %add3A : vector<8192x128xf32>
    %max3A = arith.constant 0.000000e+00 : f32
    %max3A_11 = vector.broadcast %max3A : f32 to vector<8192x128xf32>
    %max3A_12 = arith.maximumf %add3A_10, %max3A_11 : vector<8192x128xf32>
    %get3A_13 = arith.constant 0 : index
    %get3A_14 = arith.constant 0 : index
    %get3A_15 = vector.load %arg4[%get3A_13, %get3A_14] : memref<128x64xf32, #tpu.memory_space<vmem>>, vector<128x64xf32>
    %dot_general3A_16 = arith.constant dense<0.000000e+00> : vector<8192x64xf32>
    %dot_general3A_17 = tpu.matmul %max3A_12, %get3A_15, %dot_general3A_16 {dimension_numbers = #tpu.dot_dimension_numbers<[1], [0], [0], [1], [0, 0, 1, 1], [], []>, transpose_lhs_hint = false} : vector<8192x128xf32>, vector<128x64xf32>, vector<8192x64xf32> -> vector<8192x64xf32>
    %get3A_18 = arith.constant 0 : index
    %get3A_19 = arith.constant 0 : index
    %get3A_20 = vector.load %arg5[%get3A_18, %get3A_19] : memref<1x64xf32, #tpu.memory_space<vmem>>, vector<1x64xf32>
    %add3A_21 = vector.broadcast %get3A_20 : vector<1x64xf32> to vector<8192x64xf32>
    %add3A_22 = arith.addf %dot_general3A_17, %add3A_21 : vector<8192x64xf32>
    %max3A_23 = arith.constant 0.000000e+00 : f32
    %max3A_24 = vector.broadcast %max3A_23 : f32 to vector<8192x64xf32>
    %max3A_25 = arith.maximumf %add3A_22, %max3A_24 : vector<8192x64xf32>
    %get3A_26 = arith.constant 0 : index
    %get3A_27 = arith.constant 0 : index
    %get3A_28 = vector.load %arg6[%get3A_26, %get3A_27] : memref<64x32xf32, #tpu.memory_space<vmem>>, vector<64x32xf32>
    %dot_general3A_29 = arith.constant dense<0.000000e+00> : vector<8192x32xf32>
    %dot_general3A_30 = tpu.matmul %max3A_25, %get3A_28, %dot_general3A_29 {dimension_numbers = #tpu.dot_dimension_numbers<[1], [0], [0], [1], [0, 0, 1, 1], [], []>, transpose_lhs_hint = false} : vector<8192x64xf32>, vector<64x32xf32>, vector<8192x32xf32> -> vector<8192x32xf32>
    %get3A_31 = arith.constant 0 : index
    %get3A_32 = arith.constant 0 : index
    %get3A_33 = vector.load %arg7[%get3A_31, %get3A_32] : memref<1x32xf32, #tpu.memory_space<vmem>>, vector<1x32xf32>
    %add3A_34 = vector.broadcast %get3A_33 : vector<1x32xf32> to vector<8192x32xf32>
    %add3A_35 = arith.addf %dot_general3A_30, %add3A_34 : vector<8192x32xf32>
    %max3A_36 = arith.constant 0.000000e+00 : f32
    %max3A_37 = vector.broadcast %max3A_36 : f32 to vector<8192x32xf32>
    %max3A_38 = arith.maximumf %add3A_35, %max3A_37 : vector<8192x32xf32>
    %get3A_39 = arith.constant 0 : index
    %get3A_40 = arith.constant 0 : index
    %get3A_41 = vector.load %arg8[%get3A_39, %get3A_40] : memref<1x64xf32, #tpu.memory_space<vmem>>, vector<1x64xf32>
    %slice3A_42 = vector.extract_strided_slice %get3A_41 {offsets = [0, 0], sizes = [1, 32], strides = [1, 1]} : vector<1x64xf32> to vector<1x32xf32>
    %mul3A_43 = vector.broadcast %slice3A_42 : vector<1x32xf32> to vector<8192x32xf32>
    %mul3A_44 = arith.mulf %mul3A, %mul3A_43 : vector<8192x32xf32>
    %reduce_sum3A = arith.constant dense<0.000000e+00> : vector<8192xf32>
    %reduce_sum3A_45 = vector.multi_reduction <add>, %mul3A_44, %reduce_sum3A [1] : vector<8192x32xf32> to vector<8192xf32>
    %slice3A_46 = vector.extract_strided_slice %get3A_41 {offsets = [0, 32], sizes = [1, 32], strides = [1, 1]} : vector<1x64xf32> to vector<1x32xf32>
    %mul3A_47 = vector.broadcast %slice3A_46 : vector<1x32xf32> to vector<8192x32xf32>
    %mul3A_48 = arith.mulf %max3A_38, %mul3A_47 : vector<8192x32xf32>
    %reduce_sum3A_49 = arith.constant dense<0.000000e+00> : vector<8192xf32>
    %reduce_sum3A_50 = vector.multi_reduction <add>, %mul3A_48, %reduce_sum3A_49 [1] : vector<8192x32xf32> to vector<8192xf32>
    %add3A_51 = arith.addf %reduce_sum3A_45, %reduce_sum3A_50 : vector<8192xf32>
    %get3A_52 = arith.constant 0 : index
    %get3A_53 = memref.load %arg9[%get3A_52] : memref<1xf32, #tpu.memory_space<smem>>
    %add3A_54 = vector.broadcast %get3A_53 : f32 to vector<8192xf32>
    %add3A_55 = arith.addf %add3A_51, %add3A_54 : vector<8192xf32>
    %reshape3A = vector.shape_cast %add3A_55 : vector<8192xf32> to vector<64x128xf32>
    %swap3A = arith.constant 0 : index
    %swap3A_56 = arith.constant 0 : index
    %swap3A_57 = vector.load %arg10[%swap3A, %swap3A_56] : memref<64x128xf32, #tpu.memory_space<vmem>>, vector<64x128xf32>
    tpu.vector_store %arg10[%swap3A, %swap3A_56], %reshape3A {strides = array<i32>} : memref<64x128xf32, #tpu.memory_space<vmem>>, vector<64x128xf32>,
    return
  }
  func.func @transform_0(%arg0: i32) -> (i32, i32) {
    %c0_i32 = arith.constant 0 : i32
    %c0_i32_0 = arith.constant 0 : i32
    return %arg0, %c0_i32 : i32, i32
  }
  func.func @transform_1(%arg0: i32) -> (i32, i32) {
    %c0_i32 = arith.constant 0 : i32
    %c0_i32_0 = arith.constant 0 : i32
    %c0_i32_1 = arith.constant 0 : i32
    return %c0_i32, %c0_i32_0 : i32, i32
  }
  func.func @transform_2(%arg0: i32) -> (i32, i32) {
    %c0_i32 = arith.constant 0 : i32
    %c0_i32_0 = arith.constant 0 : i32
    %c0_i32_1 = arith.constant 0 : i32
    return %c0_i32, %c0_i32_0 : i32, i32
  }
  func.func @transform_3(%arg0: i32) -> (i32, i32) {
    %c0_i32 = arith.constant 0 : i32
    %c0_i32_0 = arith.constant 0 : i32
    %c0_i32_1 = arith.constant 0 : i32
    return %c0_i32, %c0_i32_0 : i32, i32
  }
  func.func @transform_4(%arg0: i32) -> (i32, i32) {
    %c0_i32 = arith.constant 0 : i32
    %c0_i32_0 = arith.constant 0 : i32
    %c0_i32_1 = arith.constant 0 : i32
    return %c0_i32, %c0_i32_0 : i32, i32
  }
  func.func @transform_5(%arg0: i32) -> (i32, i32) {
    %c0_i32 = arith.constant 0 : i32
    %c0_i32_0 = arith.constant 0 : i32
    %c0_i32_1 = arith.constant 0 : i32
    return %c0_i32, %c0_i32_0 : i32, i32
  }
  func.func @transform_6(%arg0: i32) -> (i32, i32) {
    %c0_i32 = arith.constant 0 : i32
    %c0_i32_0 = arith.constant 0 : i32
    %c0_i32_1 = arith.constant 0 : i32
    return %c0_i32, %c0_i32_0 : i32, i32
  }
  func.func @transform_7(%arg0: i32) -> (i32, i32) {
    %c0_i32 = arith.constant 0 : i32
    %c0_i32_0 = arith.constant 0 : i32
    %c0_i32_1 = arith.constant 0 : i32
    return %c0_i32, %c0_i32_0 : i32, i32
  }
  func.func @transform_8(%arg0: i32) -> i32 {
    %c0_i32 = arith.constant 0 : i32
    %c0_i32_0 = arith.constant 0 : i32
    return %c0_i32 : i32
  }
  func.func @transform_9(%arg0: i32) -> (i32, i32) {
    %c0_i32 = arith.constant 0 : i32
    %c0_i32_0 = arith.constant 0 : i32
    return %arg0, %c0_i32 : i32, i32
  }
}

</mosaic_0001>

<sc_bundles>
// kernel: kernel.4.cloned.1.call-start
scs
__scs_entry_jumppad:
0x0: {  	(pc) =	sbr.rel $0x88, $3  }
0x1: {  	(tag) =	ssettag $0x0;
	lr =	simm.s32 $0x1  }
0x2: {  	[smem:$0x3F93] =	sst lr;
	_ =	strace $0xD0000000  }
0x3: {  	_ = 	snop  }
0x4: {  	_ = 	snop  }
0x5: {  	_ = 	snop  }
0x6: {  	_ = 	snop  }
0x7: {  	_ = 	snop  }
__scs_overlays_trampoline_lowered:
0x8: {  	[smem:$0x3FA2] =	sst s0  }
0x9: {  	[smem:$0x3FA3] =	sst s1  }
0xa: {  	[smem:$0x3FA4] =	sst s2  }
0xb: {  	[smem:$0x3FA5] =	sst s3  }
0xc: {  	[smem:$0x3FA6] =	sst s4  }
0xd: {  	[smem:$0x3FA7] =	sst s5  }
0xe: {  	[smem:$0x3FA8] =	sst s6  }
0xf: {  	[smem:$0x3FA9] =	sst s7  }
0x10: {  	[smem:$0x3FAA] =	sst s8  }
0x11: {  	[smem:$0x3FAB] =	sst s9;
	s0 =	simm.s32 @!p0 $0x0  }
0x12: {  	s1 =	sld [smem:$0x3F91];
	s0 =	simm.s32 @p0 $0x1  }
0x13: {  	[smem:$0x3FAC] =	sst s0;
	s0 =	simm.s32 @!p1 $0x0  }
0x14: {  	s2 =	sld [smem:$0x3F90];
	s0 =	simm.s32 @p1 $0x1  }
0x15: {  	[smem:$0x3FAD] =	sst s0;
	s0 =	simm.s32 @!p2 $0x0  }
0x16: {  	s3 =	sld [smem:$0x3FDB];
	s0 =	simm.s32 @p2 $0x1  }
0x17: {  	s4 =	simm.s32 $0x1BF5;
	[smem:$0x3FAF] =	sst s0  }
0x18: {  	s0 =	sld [smem:$0x3F92];
	_ =	swait.ge [sflag:s4], $0x0  }
0x19: {  	s7 =	sld [smem:$0x3F93]  }
0x1a: {  	s8 =	sadd.s32 $0xFFFFE003, lr  }
0x1b: {  	s9 =	sadd.s32 $0xFFFFFEF7, lr;
	s5 =	simm.s32 $0xFFFFFFFF;
	p2 =	slt.u32 s8, $0xFFFFF086  }
0x1c: {  	p1 =	slt.u32 s9, $0xF7A;
	s5 =	simm.s32 @!p2 $0x0  }
0x1d: {  	s5 =	simm.s32 @p1 $0x1;
	p0 =	seq.s32 s7, s2  }
0x1e: {  	s7 =	smul.u32 @!p0 $0xF7A, s2;
	p2 =	seq.s32 @!p0 s5, $0x0  }
0x1f: {  	s9 =	smul.u32 $0xF7A, s1;
	s8 =	simm.s32 @!p0 $0x1BF5;
	p2 =	por !p2, p0  }
0x20: {  	[sflag:s8] =	ssyncset.s32 @!p0 $0xFFFFF086;
	s6 =	sadd.s32 @!p0 s3, s7;
	s7 =	simm.s32 @!p0 $0x108  }
0x21: {  	s3 =	sadd.s32 s3, s9;
	s6 =	sadd.s32 @!p0 $0x88, s6;
	s7 =	simm.s32 @p2 $0x1082  }
0x22: {  	[simem:s7], [sflag:s8] =	dma.local @!p0 [hbm:s6], $0xF7A  }
0x23: {  	s9 =	sor.u32 $0xD0000000, s2;
	s6 =	simm.s32 $0x108;
	_ =	swait.ge @!p0 [sflag:s8], $0x0  }
0x24: {  	s3 =	sadd.s32 $0x88, s3;
	s6 =	simm.s32 @!p1 $0x1082;
	[sflag:s4] =	ssyncset.s32 $0xFFFFF086  }
0x25: {  	[simem:s6], [sflag:s4] =	dma.local [hbm:s3], $0xF7A  }
0x26: {  	[smem:$0x3F93] =	sst s1;
	(tag) =	ssettag s2;
	_ =	strace s9  }
0x27: {  	s1 =	sld [smem:$0x3FA3]  }
0x28: {  	s2 =	sld [smem:$0x3FA4]  }
0x29: {  	s4 =	sld [smem:$0x3FA6]  }
0x2a: {  	p0 =	seq.s32 s5, $0x0;
	s5 =	sld [smem:$0x3FA7]  }
0x2b: {  	s6 =	sld [smem:$0x3FA8]  }
0x2c: {  	s7 =	sld [smem:$0x3FA9]  }
0x2d: {  	s3 =	simm.s32 $0x108;
	s8 =	sld [smem:$0x3FAA]  }
0x2e: {  	s3 =	simm.s32 @!p0 $0x1082;
	s9 =	sld [smem:$0x3FAB]  }
0x2f: {  	lr =	sadd.s32 s0, s3;
	s0 =	sld [smem:$0x3FA2]  }
0x30: {  	s3 =	sld [smem:$0x3FA5]  }
0x31: {  	[smem:$0x3FAE] =	sst s10  }
0x32: {  	s10 =	sld [smem:$0x3FAC];
	_ =	sdelay $0x3  }
0x33: {  	p0 =	seq.s32 s10, $0x1;
	s10 =	sld [smem:$0x3FAE];
	_ =	sdelay $0x3  }
0x34: {  	[smem:$0x3FAE] =	sst s10  }
0x35: {  	s10 =	sld [smem:$0x3FAD];
	_ =	sdelay $0x3  }
0x36: {  	p1 =	seq.s32 s10, $0x1;
	s10 =	sld [smem:$0x3FAE];
	_ =	sdelay $0x3  }
0x37: {  	[smem:$0x3FAE] =	sst s10  }
0x38: {  	s10 =	sld [smem:$0x3FAF]  }
0x39: {  	_ = 	snop;
	(pc) =	sbr.ind lr, $3  }
0x3a: {  	_ = 	snop  }
0x3b: {  	_ = 	snop  }
0x3c: {  	p2 =	seq.s32 s10, $0x1;
	s10 =	sld [smem:$0x3FAE]  }
0x3d: {  	_ =	shalt  }
0x3e: {  	_ =	shalt  }
0x3f: {  	_ =	shalt  }
0x40: {  	_ =	shalt  }
0x41: {  	_ =	shalt  }
0x42: {  	_ =	shalt  }
0x43: {  	_ =	shalt  }
0x44: {  	_ =	shalt  }
0x45: {  	_ =	shalt  }
0x46: {  	_ =	shalt  }
0x47: {  	_ =	shalt  }
0x48: {  	_ =	shalt  }
0x49: {  	_ =	shalt  }
0x4a: {  	_ =	shalt  }
0x4b: {  	_ =	shalt  }
0x4c: {  	_ =	shalt  }
0x4d: {  	_ =	shalt  }
0x4e: {  	_ =	shalt  }
0x4f: {  	_ =	shalt  }
0x50: {  	_ =	shalt  }
0x51: {  	_ =	shalt  }
0x52: {  	_ =	shalt  }
0x53: {  	_ =	shalt  }
0x54: {  	_ =	shalt  }
0x55: {  	_ =	shalt  }
0x56: {  	_ =	shalt  }
0x57: {  	_ =	shalt  }
0x58: {  	_ =	shalt  }
0x59: {  	_ =	shalt  }
0x5a: {  	_ =	shalt  }
0x5b: {  	_ =	shalt  }
0x5c: {  	_ =	shalt  }
0x5d: {  	_ =	shalt  }
0x5e: {  	_ =	shalt  }
0x5f: {  	_ =	shalt  }
0x60: {  	_ =	shalt  }
0x61: {  	_ =	shalt  }
0x62: {  	_ =	shalt  }
0x63: {  	_ =	shalt  }
0x64: {  	_ =	shalt  }
0x65: {  	_ =	shalt  }
0x66: {  	_ =	shalt  }
0x67: {  	_ =	shalt  }
0x68: {  	_ =	shalt  }
0x69: {  	_ =	shalt  }
0x6a: {  	_ =	shalt  }
0x6b: {  	_ =	shalt  }
0x6c: {  	_ =	shalt  }
0x6d: {  	_ =	shalt  }
0x6e: {  	_ =	shalt  }
0x6f: {  	_ =	shalt  }
0x70: {  	_ =	shalt  }
0x71: {  	_ =	shalt  }
0x72: {  	_ =	shalt  }
0x73: {  	_ =	shalt  }
0x74: {  	_ =	shalt  }
0x75: {  	_ =	shalt  }
0x76: {  	_ =	shalt  }
0x77: {  	_ =	shalt  }
0x78: {  	_ =	shalt  }
0x79: {  	_ =	shalt  }
0x7a: {  	_ =	shalt  }
0x7b: {  	_ =	shalt  }
0x7c: {  	_ =	shalt  }
0x7d: {  	_ =	shalt  }
0x7e: {  	_ =	shalt  }
0x7f: {  	_ =	shalt  }
0x80: {  	_ =	shalt  }
0x81: {  	_ =	shalt  }
0x82: {  	_ =	shalt  }
0x83: {  	_ =	shalt  }
0x84: {  	_ =	shalt  }
0x85: {  	_ =	shalt  }
0x86: {  	_ =	shalt  }
0x87: {  	_ =	shalt  }
.Lfunc_end0:
.L_simem_size_0:
called_computation_lowered:
.L_overlay_start_0:
0x88: {  	s2 =	sld [smem:$0x3FD9]  }
0x89: {  	s3 =	sld [smem:$0x3FFE];
	_ =	sdelay $0x1  }
0x8a: {  	s1 =	srdreg.scid  }
0x8b: {  	s0 =	sand.u32 $0x1, s1  }
0x8c: {  	s17 =	sshll.u32 s0, $0xA;
	s2 =	sadd.s32 s3, s2  }
0x8d: {  	s2 =	sadd.s32 s2, s17  }
0x8e: {  	[smem:$0x3FBA] =	sst s2  }
0x8f: {  	_ = 	snop  }
0x90: {  	s2 =	sld [smem:$0x3FC9]  }
0x91: {  	s18 =	sld [smem:$0x3FC8];
	(tm) =	ssettm $0x1  }
0x92: {  	s4 =	sld [smem:$0x3FFB];
	_ =	sdelay $0x3  }
0x93: {  	_ =	strace s4  }
0x94: {  	s4 =	sld [smem:$0x3FFC];
	_ =	sdelay $0x3  }
0x95: {  	_ =	strace s4  }
0x96: {  	s4 =	sld [smem:$0x3FFD];
	_ =	sdelay $0x3  }
0x97: {  	_ =	strace s4  }
0x98: {  	_ =	strace $0x8FFFFFFF  }
0x99: {  	s19 =	sld [smem:$0x3FDB];
	_ =	sdelay $0x1  }
0x9a: {  	s5 =	simm.s32 $_scs_section_size  }
0x9b: {  	s6 =	simm.s32 $_size__tile_overlayer_lowered;
	s7 =	simm.s32 $_tile_overlayer_lowered  }
0x9c: {  	s22 =	simm.s32 $0x1BFF;
	s21 =	sshll.u32 s7, $0x1;
	s4 =	sadd.s32 s5, s19  }
0x9d: {  	s8 =	simm.s32 $0x0;
	s20 =	sshll.u32 s6, $0x1;
	s6 =	sadd.s32 s21, s4  }
0x9e: {  	[timem:s8], [sflag:s22] =	dma.local [hbm:s6], s20  }
0x9f: {  	_ =	swait.ge [sflag:s22], s20  }
0xa0: {  	s5 =	ssub.s32 $0x0, s20;
	[sflag:s22] =	ssyncset.done $0x0  }
0xa1: {  	[sflag:s22] =	ssyncadd.s32 s5;
	_ =	sdelay $0x1  }
0xa2: {  	s23 =	simm.s32 $0x1B8B  }
0xa3: {  	_ =	swait.ge [sflag:s23], $0x1  }
0xa4: {  	[sflag:s23] =	ssyncset.done $0x0  }
0xa5: {  	s25 =	simm.s32 $0x1B8E;
	s24 =	sld [smem:$0x3FFE];
	[sflag:s23] =	ssyncadd.s32 $0xFFFFFFFF  }
0xa6: {  	s26 =	simm.s32 $execute0_lowered;
	[smem:$0x3FD2] =	sst s25  }
0xa7: {  	s6 =	sshll.u32 s26, $0x1;
	_ =	strace $0x80000046;
	[dreg:$0x1] =	wrdreg $0xFFFFFFFF  }
0xa8: {  	s28 =	simm.s32 $_size_execute0_lowered;
	s4 =	sadd.s32 s4, s6;
	[dreg:$0x0] =	wrdreg $0x0  }
0xa9: {  	s6 =	sshll.u32 s28, $0x1;
	[dreg:$0x2] =	wrdreg s4  }
0xaa: {  	[dreg:$0x3] =	wrdreg s6  }
0xab: {  	[dreg:$0x4] =	wrdreg $0xC0  }
0xac: {  	_ =	task [dreg:s8], $0x5FFFF  }
0xad: {  	[dreg:$0x1] =	wrdreg $0xFFFFFFFF  }
0xae: {  	[dreg:$0x0] =	wrdreg $0x60  }
0xaf: {  	[dreg:$0x2] =	wrdreg s2  }
0xb0: {  	[dreg:$0x3] =	wrdreg s18  }
0xb1: {  	[dreg:$0x4] =	wrdreg s24  }
0xb2: {  	[dreg:$0x5] =	wrdreg $0x9  }
0xb3: {  	_ =	task.clear_ibuf [dreg:s8], $0x6FFFF;
	_ =	strace $0x90000046  }
0xb4: {  	s29 =	simm.s32 $0x9;
	_ =	strace $0x80000048  }
0xb5: {  	_ =	swait.ge [sflag:s29], $0x1  }
0xb6: {  	[sflag:s29] =	ssyncadd.s32 $0xFFFFFFFF  }
0xb7: {  	_ =	strace $0x90000048  }
0xb8: {  	_ =	sfence  }
0xb9: {  	s30 =	sld [smem:$0x0];
	_ =	sdelay $0x2  }
0xba: {  	s31 =	sshll.u32 s1, $0xD;
	s1 =	sshrl.u32 s1, $0x2  }
0xbb: {  	s3 =	sand.u32 $0x4000, s31;
	s1 =	sadd.s32 s1, s30  }
0xbc: {  	s0 =	sor.u32 s3, s0;
	s1 =	sshll.u32 s1, $0x11  }
0xbd: {  	s0 =	sor.u32 s1, s0  }
0xbe: {  	s0 =	sadd.s32 $0x8F2B, s0  }
0xbf: {  	[sflag:s0] =	ssyncadd.remote.s32 $0x1  }
0xc0: {  	_ =	sfence.sel $0xFFFF  }
0xc1: {  	[dreg:$0x0] =	wrdreg $0xFFFFFFFF;
	(pc) =	sbr.abs _section_cstart, $3  }
0xc2: {  	[dreg:$0x1] =	wrdreg $0xFFFFFFFF  }
0xc3: {  	_ =	task.clear_ibuf [dreg:s8], $0x2FFFF;
	_ =	strace $0x9FFFFFFF  }
0xc4: {  	(tm) =	ssettm $0x7FFFFFFF  }
0xc5: {  	_ =	shalt  }
tec
execute0_lowered:
.L_overlay_start_1:
0x0: {  	(tag) =	ssettag $0x1  }
0x1: {  	s4 =	rddreg [dreg:$0x0]  }
0x2: {  	s5 =	rddreg [dreg:$0x1]  }
0x3: {  	s6 =	rddreg [dreg:$0x2]  }
0x4: {  	s0 =	rddreg [dreg:$0x3]  }
0x5: {  	s2 =	simm.s32 $0x0;
	s3 =	srdreg.scid;
	s1 =	stileid.u32  }
0x6: {  	s11 =	simm.s32 $0x80;
	s12 =	simm.s32 $0x400;
	s13 =	simm.s32 $0x2400  }
0x7: {  	s14 =	simm.s32 $0x100;
	s15 =	simm.s32 $0x4400;
	s16 =	simm.s32 $0x180  }
0x8: {  	s17 =	simm.s32 $0x6400;
	s18 =	simm.s32 $0x2;
	s19 =	simm.s32 $0x8400  }
0x9: {  	s20 =	simm.s32 $0x280;
	s21 =	simm.s32 $0xA400;
	s22 =	simm.s32 $0x300  }
0xa: {  	s23 =	simm.s32 $0xC400;
	s24 =	simm.s32 $0x380;
	s25 =	simm.s32 $0xE400  }
0xb: {  	s26 =	simm.s32 $0x40;
	s28 =	simm.s32 $0x3;
	[smem:$0x7FF] =	sst s2  }
0xc: {  	s3 =	sand.u32 $0x1, s3;
	s7 =	sshll.u32 s1, $0x1;
	_ =	strace $0x80000047  }
0xd: {  	s7 =	sor.u32 s3, s7;
	s8 =	ssub.s32 $0x2, s3;
	s3 =	sadd.s32 $0x1600, s6  }
0xe: {  	s9 =	sshll.u32 s7, $0xD;
	s10 =	sshrl.u32 s8, $0x1;
	s31 =	sshll.u32 s7, $0x6  }
0xf: {  	s9 =	sadd.s32 s9, s6;
	s8 =	ssub.s32 s8, s10;
	s4 =	sadd.s32 s4, s31  }
0x10: {  	s5 =	sadd.s32 s5, s31;
	s10 =	simm.s32 $0x1;
	s6 =	sadd.s32 $0x5600, s9  }
0x11: {  	s7 =	sadd.s32 $0x5608, s9;
	s8 =	smax.u32 s8, $0x1;
	s9 =	simm.s32 $0x200  }
.LBB2_1:
0x12: {  	[tilespmem:s2], [sflag:$0x1] =	stream.linear.gather [hbm4b:s4+s2], $0x200, $0x38;
	[tilespmem:$0x10400] =	vst v63  }
0x13: {  	_ = 	snop  }
0x14: {  	[tilespmem:s9], [sflag:$0x2] =	stream.linear.gather [hbm4b:s5+s2], $0x200, $0x38;
	[tilespmem:$0x10400] =	vst v63  }
0x15: {  	_ =	swait.ge [sflag:s10], $0x200  }
0x16: {  	[sflag:s10] =	ssyncset.done $0x0  }
0x17: {  	[sflag:s10] =	ssyncadd.s32 $0xFFFFFE00  }
0x18: {  	v0 =	vld [tilespmem:$0x0]  }
0x19: {  	v1 =	vld [tilespmem:$0x10]  }
0x1a: {  	v2 =	vld [tilespmem:$0x20]  }
0x1b: {  	v3 =	vld [tilespmem:$0x30]  }
0x1c: {  	v4 =	vld [tilespmem:$0x40]  }
0x1d: {  	v5 =	vld [tilespmem:$0x50];
	v0 =	vshll.u32 v0, $0x1  }
0x1e: {  	v40 =	vld [tilespmem:$0x60];
	v39 =	vshll.u32 v1, $0x1;
	[tilespmem:$0x0] =	vst v0  }
0x1f: {  	v42 =	vld [tilespmem:$0x70];
	v41 =	vshll.u32 v2, $0x1;
	[tilespmem:$0x10] =	vst v39  }
0x20: {  	v43 =	vshll.u32 v3, $0x1;
	[tilespmem:$0x20] =	vst v41  }
0x21: {  	v44 =	vshll.u32 v4, $0x1;
	[tilespmem:$0x30] =	vst v43  }
0x22: {  	v45 =	vshll.u32 v5, $0x1;
	[tilespmem:$0x40] =	vst v44  }
0x23: {  	v46 =	vshll.u32 v40, $0x1;
	[tilespmem:$0x50] =	vst v45  }
0x24: {  	v47 =	vshll.u32 v42, $0x1;
	[tilespmem:$0x60] =	vst v46  }
0x25: {  	[tilespmem:$0x70] =	vst v47  }
0x26: {  	[tilespmem:s12], [sflag:$0x1] =	stream.indirect.gather [hbm4b:s3+s11], $0x40, s2, s11, $0xb8;
	[tilespmem:$0x10400] =	vst v63  }
0x27: {  	v48 =	vld [tilespmem:$0x80]  }
0x28: {  	v49 =	vld [tilespmem:$0x90]  }
0x29: {  	v50 =	vld [tilespmem:$0xA0]  }
0x2a: {  	v51 =	vld [tilespmem:$0xB0]  }
0x2b: {  	v52 =	vld [tilespmem:$0xC0]  }
0x2c: {  	v53 =	vld [tilespmem:$0xD0];
	v0 =	vshll.u32 v48, $0x1  }
0x2d: {  	v55 =	vld [tilespmem:$0xE0];
	v54 =	vshll.u32 v49, $0x1;
	[tilespmem:$0x80] =	vst v0  }
0x2e: {  	v57 =	vld [tilespmem:$0xF0];
	v56 =	vshll.u32 v50, $0x1;
	[tilespmem:$0x90] =	vst v54  }
0x2f: {  	v58 =	vshll.u32 v51, $0x1;
	[tilespmem:$0xA0] =	vst v56  }
0x30: {  	v59 =	vshll.u32 v52, $0x1;
	[tilespmem:$0xB0] =	vst v58  }
0x31: {  	v60 =	vshll.u32 v53, $0x1;
	[tilespmem:$0xC0] =	vst v59  }
0x32: {  	v61 =	vshll.u32 v55, $0x1;
	[tilespmem:$0xD0] =	vst v60  }
0x33: {  	v62 =	vshll.u32 v57, $0x1;
	[tilespmem:$0xE0] =	vst v61  }
0x34: {  	[tilespmem:$0xF0] =	vst v62  }
0x35: {  	[tilespmem:s13], [sflag:$0x1] =	stream.indirect.gather [hbm4b:s3+s11], $0x40, s11, s11, $0xb8;
	[tilespmem:$0x10400] =	vst v63  }
0x36: {  	v63 =	vld [tilespmem:$0x100]  }
0x37: {  	v8 =	vld [tilespmem:$0x110]  }
0x38: {  	v9 =	vld [tilespmem:$0x120]  }
0x39: {  	v10 =	vld [tilespmem:$0x130]  }
0x3a: {  	v11 =	vld [tilespmem:$0x140]  }
0x3b: {  	v12 =	vld [tilespmem:$0x150];
	v0 =	vshll.u32 v63, $0x1  }
0x3c: {  	v14 =	vld [tilespmem:$0x160];
	v13 =	vshll.u32 v8, $0x1;
	[tilespmem:$0x100] =	vst v0  }
0x3d: {  	v16 =	vld [tilespmem:$0x170];
	v15 =	vshll.u32 v9, $0x1;
	[tilespmem:$0x110] =	vst v13  }
0x3e: {  	v17 =	vshll.u32 v10, $0x1;
	[tilespmem:$0x120] =	vst v15  }
0x3f: {  	v18 =	vshll.u32 v11, $0x1;
	[tilespmem:$0x130] =	vst v17  }
0x40: {  	v19 =	vshll.u32 v12, $0x1;
	[tilespmem:$0x140] =	vst v18  }
0x41: {  	v20 =	vshll.u32 v14, $0x1;
	[tilespmem:$0x150] =	vst v19  }
0x42: {  	v21 =	vshll.u32 v16, $0x1;
	[tilespmem:$0x160] =	vst v20  }
0x43: {  	[tilespmem:$0x170] =	vst v21  }
0x44: {  	[tilespmem:s15], [sflag:$0x1] =	stream.indirect.gather [hbm4b:s3+s11], $0x40, s14, s11, $0xb8;
	[tilespmem:$0x10400] =	vst v63  }
0x45: {  	v22 =	vld [tilespmem:$0x180]  }
0x46: {  	v23 =	vld [tilespmem:$0x190]  }
0x47: {  	v24 =	vld [tilespmem:$0x1A0]  }
0x48: {  	v25 =	vld [tilespmem:$0x1B0]  }
0x49: {  	v26 =	vld [tilespmem:$0x1C0]  }
0x4a: {  	v27 =	vld [tilespmem:$0x1D0];
	v0 =	vshll.u32 v22, $0x1  }
0x4b: {  	v29 =	vld [tilespmem:$0x1E0];
	v28 =	vshll.u32 v23, $0x1;
	[tilespmem:$0x180] =	vst v0  }
0x4c: {  	v31 =	vld [tilespmem:$0x1F0];
	v30 =	vshll.u32 v24, $0x1;
	[tilespmem:$0x190] =	vst v28  }
0x4d: {  	v32 =	vshll.u32 v25, $0x1;
	[tilespmem:$0x1A0] =	vst v30  }
0x4e: {  	v33 =	vshll.u32 v26, $0x1;
	[tilespmem:$0x1B0] =	vst v32  }
0x4f: {  	v34 =	vshll.u32 v27, $0x1;
	[tilespmem:$0x1C0] =	vst v33  }
0x50: {  	v35 =	vshll.u32 v29, $0x1;
	[tilespmem:$0x1D0] =	vst v34  }
0x51: {  	v36 =	vshll.u32 v31, $0x1;
	[tilespmem:$0x1E0] =	vst v35  }
0x52: {  	[tilespmem:$0x1F0] =	vst v36  }
0x53: {  	[tilespmem:s17], [sflag:$0x1] =	stream.indirect.gather [hbm4b:s3+s11], $0x40, s16, s11, $0xb8;
	[tilespmem:$0x10400] =	vst v63  }
0x54: {  	_ =	swait.ge [sflag:s18], $0x200  }
0x55: {  	[sflag:s18] =	ssyncset.done $0x0  }
0x56: {  	[sflag:s18] =	ssyncadd.s32 $0xFFFFFE00  }
0x57: {  	v37 =	vld [tilespmem:$0x200]  }
0x58: {  	v38 =	vld [tilespmem:$0x210]  }
0x59: {  	v39 =	vld [tilespmem:$0x220]  }
0x5a: {  	v40 =	vld [tilespmem:$0x230]  }
0x5b: {  	v41 =	vld [tilespmem:$0x240]  }
0x5c: {  	v42 =	vld [tilespmem:$0x250];
	v0 =	vshll.u32 v37, $0x1  }
0x5d: {  	v6 =	vld [tilespmem:$0x260];
	v1 =	vshll.u32 v38, $0x1;
	v0 =	vor.u32 $0x1, v0  }
0x5e: {  	v45 =	vld [tilespmem:$0x270];
	v44 =	vshll.u32 v39, $0x1;
	v43 =	vor.u32 $0x1, v1;
	[tilespmem:$0x200] =	vst v0  }
0x5f: {  	v47 =	vshll.u32 v40, $0x1;
	v46 =	vor.u32 $0x1, v44;
	[tilespmem:$0x210] =	vst v43  }
0x60: {  	v49 =	vshll.u32 v41, $0x1;
	v48 =	vor.u32 $0x1, v47;
	[tilespmem:$0x220] =	vst v46  }
0x61: {  	v51 =	vshll.u32 v42, $0x1;
	v50 =	vor.u32 $0x1, v49;
	[tilespmem:$0x230] =	vst v48  }
0x62: {  	v53 =	vshll.u32 v6, $0x1;
	v52 =	vor.u32 $0x1, v51;
	[tilespmem:$0x240] =	vst v50  }
0x63: {  	v55 =	vshll.u32 v45, $0x1;
	v54 =	vor.u32 $0x1, v53;
	[tilespmem:$0x250] =	vst v52  }
0x64: {  	v56 =	vor.u32 $0x1, v55;
	[tilespmem:$0x260] =	vst v54  }
0x65: {  	[tilespmem:$0x270] =	vst v56  }
0x66: {  	[tilespmem:s19], [sflag:$0x2] =	stream.indirect.gather [hbm4b:s3+s11], $0x40, s9, s11, $0xb8;
	[tilespmem:$0x10400] =	vst v63  }
0x67: {  	v57 =	vld [tilespmem:$0x280]  }
0x68: {  	v58 =	vld [tilespmem:$0x290]  }
0x69: {  	v59 =	vld [tilespmem:$0x2A0]  }
0x6a: {  	v60 =	vld [tilespmem:$0x2B0]  }
0x6b: {  	v61 =	vld [tilespmem:$0x2C0]  }
0x6c: {  	v62 =	vld [tilespmem:$0x2D0];
	v0 =	vshll.u32 v57, $0x1  }
0x6d: {  	v63 =	vld [tilespmem:$0x2E0];
	v1 =	vshll.u32 v58, $0x1;
	v0 =	vor.u32 $0x1, v0  }
0x6e: {  	v10 =	vld [tilespmem:$0x2F0];
	v9 =	vshll.u32 v59, $0x1;
	v8 =	vor.u32 $0x1, v1;
	[tilespmem:$0x280] =	vst v0  }
0x6f: {  	v12 =	vshll.u32 v60, $0x1;
	v11 =	vor.u32 $0x1, v9;
	[tilespmem:$0x290] =	vst v8  }
0x70: {  	v14 =	vshll.u32 v61, $0x1;
	v13 =	vor.u32 $0x1, v12;
	[tilespmem:$0x2A0] =	vst v11  }
0x71: {  	v16 =	vshll.u32 v62, $0x1;
	v15 =	vor.u32 $0x1, v14;
	[tilespmem:$0x2B0] =	vst v13  }
0x72: {  	v18 =	vshll.u32 v63, $0x1;
	v17 =	vor.u32 $0x1, v16;
	[tilespmem:$0x2C0] =	vst v15  }
0x73: {  	v20 =	vshll.u32 v10, $0x1;
	v19 =	vor.u32 $0x1, v18;
	[tilespmem:$0x2D0] =	vst v17  }
0x74: {  	v21 =	vor.u32 $0x1, v20;
	[tilespmem:$0x2E0] =	vst v19  }
0x75: {  	[tilespmem:$0x2F0] =	vst v21  }
0x76: {  	[tilespmem:s21], [sflag:$0x2] =	stream.indirect.gather [hbm4b:s3+s11], $0x40, s20, s11, $0xb8;
	[tilespmem:$0x10400] =	vst v63  }
0x77: {  	v22 =	vld [tilespmem:$0x300]  }
0x78: {  	v23 =	vld [tilespmem:$0x310]  }
0x79: {  	v24 =	vld [tilespmem:$0x320]  }
0x7a: {  	v25 =	vld [tilespmem:$0x330]  }
0x7b: {  	v26 =	vld [tilespmem:$0x340]  }
0x7c: {  	v27 =	vld [tilespmem:$0x350];
	v0 =	vshll.u32 v22, $0x1  }
0x7d: {  	v28 =	vld [tilespmem:$0x360];
	v1 =	vshll.u32 v23, $0x1;
	v0 =	vor.u32 $0x1, v0  }
0x7e: {  	v31 =	vld [tilespmem:$0x370];
	v30 =	vshll.u32 v24, $0x1;
	v29 =	vor.u32 $0x1, v1;
	[tilespmem:$0x300] =	vst v0  }
0x7f: {  	v33 =	vshll.u32 v25, $0x1;
	v32 =	vor.u32 $0x1, v30;
	[tilespmem:$0x310] =	vst v29  }
0x80: {  	v35 =	vshll.u32 v26, $0x1;
	v34 =	vor.u32 $0x1, v33;
	[tilespmem:$0x320] =	vst v32  }
0x81: {  	v37 =	vshll.u32 v27, $0x1;
	v36 =	vor.u32 $0x1, v35;
	[tilespmem:$0x330] =	vst v34  }
0x82: {  	v39 =	vshll.u32 v28, $0x1;
	v38 =	vor.u32 $0x1, v37;
	[tilespmem:$0x340] =	vst v36  }
0x83: {  	v41 =	vshll.u32 v31, $0x1;
	v40 =	vor.u32 $0x1, v39;
	[tilespmem:$0x350] =	vst v38  }
0x84: {  	v42 =	vor.u32 $0x1, v41;
	[tilespmem:$0x360] =	vst v40  }
0x85: {  	[tilespmem:$0x370] =	vst v42  }
0x86: {  	[tilespmem:s23], [sflag:$0x2] =	stream.indirect.gather [hbm4b:s3+s11], $0x40, s22, s11, $0xb8;
	[tilespmem:$0x10400] =	vst v63  }
0x87: {  	v43 =	vld [tilespmem:$0x380]  }
0x88: {  	v44 =	vld [tilespmem:$0x390]  }
0x89: {  	v45 =	vld [tilespmem:$0x3A0]  }
0x8a: {  	v46 =	vld [tilespmem:$0x3B0]  }
0x8b: {  	v47 =	vld [tilespmem:$0x3C0]  }
0x8c: {  	v48 =	vld [tilespmem:$0x3D0];
	v0 =	vshll.u32 v43, $0x1  }
0x8d: {  	v49 =	vld [tilespmem:$0x3E0];
	v1 =	vshll.u32 v44, $0x1;
	v0 =	vor.u32 $0x1, v0  }
0x8e: {  	v52 =	vld [tilespmem:$0x3F0];
	v51 =	vshll.u32 v45, $0x1;
	v50 =	vor.u32 $0x1, v1;
	[tilespmem:$0x380] =	vst v0  }
0x8f: {  	v54 =	vshll.u32 v46, $0x1;
	v53 =	vor.u32 $0x1, v51;
	[tilespmem:$0x390] =	vst v50  }
0x90: {  	v56 =	vshll.u32 v47, $0x1;
	v55 =	vor.u32 $0x1, v54;
	[tilespmem:$0x3A0] =	vst v53  }
0x91: {  	v58 =	vshll.u32 v48, $0x1;
	v57 =	vor.u32 $0x1, v56;
	[tilespmem:$0x3B0] =	vst v55  }
0x92: {  	v60 =	vshll.u32 v49, $0x1;
	v59 =	vor.u32 $0x1, v58;
	[tilespmem:$0x3C0] =	vst v57  }
0x93: {  	v62 =	vshll.u32 v52, $0x1;
	v61 =	vor.u32 $0x1, v60;
	[tilespmem:$0x3D0] =	vst v59  }
0x94: {  	v63 =	vor.u32 $0x1, v62;
	[tilespmem:$0x3E0] =	vst v61  }
0x95: {  	[tilespmem:$0x3F0] =	vst v63  }
0x96: {  	[tilespmem:s25], [sflag:$0x2] =	stream.indirect.gather [hbm4b:s3+s11], $0x40, s24, s11, $0xb8;
	[tilespmem:$0x10400] =	vst v63  }
0x97: {  	_ =	swait.ge [sflag:s10], $0x2000  }
0x98: {  	[sflag:s10] =	ssyncset.done $0x0  }
0x99: {  	[sflag:s10] =	ssyncadd.s32 $0xFFFFE000  }
0x9a: {  	_ =	swait.ge [sflag:s10], $0x2000  }
0x9b: {  	[sflag:s10] =	ssyncset.done $0x0  }
0x9c: {  	[sflag:s10] =	ssyncadd.s32 $0xFFFFE000  }
0x9d: {  	_ =	swait.ge [sflag:s10], $0x2000  }
0x9e: {  	[sflag:s10] =	ssyncset.done $0x0  }
0x9f: {  	[sflag:s10] =	ssyncadd.s32 $0xFFFFE000  }
0xa0: {  	_ =	swait.ge [sflag:s10], $0x2000  }
0xa1: {  	[sflag:s10] =	ssyncset.done $0x0  }
0xa2: {  	[sflag:s10] =	ssyncadd.s32 $0xFFFFE000  }
0xa3: {  	[hbm4b:s6+s26] =	stream.strided.scatter [tilespmem:s12], [sflag:$0x3], $0x8000, s11, s26, $0x38;
	[tilespmem:$0x10400] =	vst v63  }
0xa4: {  	_ =	swait.ge [sflag:s18], $0x2000  }
0xa5: {  	[sflag:s18] =	ssyncset.done $0x0  }
0xa6: {  	[sflag:s18] =	ssyncadd.s32 $0xFFFFE000  }
0xa7: {  	_ =	swait.ge [sflag:s18], $0x2000  }
0xa8: {  	[sflag:s18] =	ssyncset.done $0x0  }
0xa9: {  	[sflag:s18] =	ssyncadd.s32 $0xFFFFE000  }
0xaa: {  	_ =	swait.ge [sflag:s18], $0x2000  }
0xab: {  	[sflag:s18] =	ssyncset.done $0x0  }
0xac: {  	[sflag:s18] =	ssyncadd.s32 $0xFFFFE000  }
0xad: {  	_ =	swait.ge [sflag:s18], $0x2000  }
0xae: {  	[sflag:s18] =	ssyncset.done $0x0  }
0xaf: {  	[sflag:s18] =	ssyncadd.s32 $0xFFFFE000  }
0xb0: {  	[hbm4b:s7+s26] =	stream.strided.scatter [tilespmem:s19], [sflag:$0x3], $0x8000, s11, s26, $0x38;
	[tilespmem:$0x10400] =	vst v63  }
0xb1: {  	p0 =	sne.s32 s8, $0x1;
	_ =	swait.ge [sflag:s28], $0x8000  }
.Ltmp0:
0xb2: {  	[sflag:s28] =	ssyncset.done $0x0;
	(pc) =	sbr.rel @p0 .LBB2_1-.Ltmp0, $4  }
0xb3: {  	[sflag:s28] =	ssyncadd.s32 $0xFFFF8000  }
0xb4: {  	_ =	swait.ge [sflag:s28], $0x8000  }
0xb5: {  	[sflag:s28] =	ssyncset.done $0x0  }
0xb6: {  	s8 =	sadd.s32 $0xFFFFFFFF, s8;
	[sflag:s28] =	ssyncadd.s32 $0xFFFF8000  }
0xb7: {  	_ =	sfence.sel $0x180000  }
0xb8: {  	[bflag:$0x0] =	sbarrier.arrive $0xFFFF  }
0xb9: {  	p0 =	sne.s32 s1, $0x0;
	_ =	strace $0x90000047  }
0xba: {  	s0 =	sadd.s32 @!p0 $0x100000, s0;
	[bflag:$0x2] =	sbarrier.arrive $0xFFFF  }
0xbb: {  	[sflag:s0] =	ssyncadd.tile.s32 @!p0 $0x1;
	_ =	shalt  }
.Lfunc_end2:
_tile_overlayer_lowered:
.L_overlay_start_2:
0xbc: {  	(tag) =	ssettag $0x2  }
0xbd: {  	s0 =	rddreg [dreg:$0x0];
	s2 =	stileid.u32  }
0xbe: {  	s1 =	rddreg [dreg:$0x1];
	p0 =	sne.s32 s2, $0x0  }
0xbf: {  	s3 =	rddreg [dreg:$0x2];
	[bflag:$0x3] =	sbarrier.arrive $0xFFFF;
	s2 =	simm.s32 @!p0 $0x1C04  }
0xc0: {  	[timem:s3], [sflag:s2] =	dma.local @!p0 [hbm:s0], s1  }
0xc1: {  	s0 =	simm.s32 @!p0 $0x4  }
0xc2: {  	_ =	swait.ge @!p0 [sflag:s0], s1  }
0xc3: {  	s1 =	ssub.s32 @!p0 $0x0, s1;
	[sflag:s0] =	ssyncset.done @!p0 $0x0  }
0xc4: {  	[sflag:s0] =	ssyncadd.s32 @!p0 s1  }
0xc5: {  	[bflag:$0x3] =	sbarrier.arrive $0xFFFF  }
0xc6: {  	_ =	shalt  }

</sc_bundles>
